<compile_context>
chip_gen: v7x
topology: tpu7x:2x2x1
jax: 0.10.2.dev20260603
libtpu: 0.0.44.dev20260713+nightly
codegen_flags: <defaults>
</compile_context>

<pallas_src>
import functools

import jax
import jax.numpy as jnp
from jax import lax
from jax.experimental import pallas as pl
from jax.experimental.pallas import tpu as pltpu
from jax.experimental.pallas import tpu_sc as plsc

_B, _S, _D = 4096, 50, 128
_N = _B * _S
_NW = 32
_PER_W = _N // _NW
_CHUNK = 320
_NCH = _PER_W // _CHUNK

_mesh = plsc.VectorSubcoreMesh(core_axis_name="c", subcore_axis_name="s")


@functools.partial(
    pl.kernel,
    mesh=_mesh,
    out_type=jax.ShapeDtypeStruct((_N, _D), jnp.float32),
    scratch_types=[
        pltpu.VMEM((_PER_W,), jnp.int32),
        pltpu.VMEM((3, _CHUNK, _D), jnp.float32),
        pltpu.SemaphoreType.DMA,
        pltpu.SemaphoreType.DMA,
    ],
    compiler_params=pltpu.CompilerParams(use_tc_tiling_on_sc=True),
)
def _gather_kernel(ids_hbm, table_hbm, out_hbm, idx_v, rows_v, gsem, ssem):
    wid = lax.axis_index("s") * 2 + lax.axis_index("c")
    base = wid * _PER_W
    pltpu.sync_copy(ids_hbm.at[pl.ds(base, _PER_W)], idx_v)

    def gather(c, buf):
        pltpu.async_copy(
            table_hbm.at[idx_v.at[pl.ds(c * _CHUNK, _CHUNK)]],
            rows_v.at[buf], gsem)

    def gwait(buf):
        pltpu.make_async_copy(
            table_hbm.at[pl.ds(0, _CHUNK)], rows_v.at[buf], gsem).wait()

    def scatter(c, buf):
        pltpu.async_copy(
            rows_v.at[buf], out_hbm.at[pl.ds(base + c * _CHUNK, _CHUNK)], ssem)

    def swait(buf):
        pltpu.make_async_copy(
            rows_v.at[buf], out_hbm.at[pl.ds(base, _CHUNK)], ssem).wait()

    gather(0, 0)
    gather(1, 1)

    gwait(0)
    scatter(0, 0)
    gather(2, 2)

    gwait(1)
    scatter(1, 1)
    swait(1)
    gather(3, 0)

    gwait(2)
    scatter(2, 2)
    swait(2)
    gather(4, 1)

    def body(i, carry):
        c = 3 * i
        for j in range(3):
            buf = j
            gwait(buf)
            scatter(c + j, buf)
            swait(buf)
            gather(c + j + 2, (j + 2) % 3)
        return carry

    lax.fori_loop(1, (_NCH - 2) // 3, body, 0)

    gwait(0)
    scatter(_NCH - 2, 0)
    swait(0)
    gwait(1)
    scatter(_NCH - 1, 1)
    swait(1)
    swait(2)


def kernel(word_ids, table):
    ids_t = word_ids.T.reshape(-1).astype(jnp.int32)
    out = _gather_kernel(ids_t, table)
    return jnp.transpose(out.reshape(_S, _B, _D), (1, 0, 2))

# --- scband reference (transcript-rebuilt; emitter-appended) ---
"""Pipeline reference for scband-embedder-22016002359392 (READ-ONLY COPY).

The authoritative reference and input builder live on the scoring server;
editing this copy changes nothing except your own understanding.
"""

import jax, jax.numpy as jnp
import numpy as np

N_VOCAB = 100000
D_UNITS = 128
BATCH = 4096
SEQ = 50
PAD_IDX = 0

def setup_inputs(seed: int = 0) -> dict:
    key = jax.random.key(seed)
    k_ids, k_tab = jax.random.split(key)
    word_ids = jax.random.randint(k_ids, (BATCH, SEQ), 0, N_VOCAB, dtype=jnp.int64)
    table = jax.random.normal(k_tab, (N_VOCAB, D_UNITS), dtype=jnp.float32) * 0.02
    # padding_idx row is zeroed, as nn.Embedding does at init
    table = table.at[PAD_IDX].set(0.0)
    return {"word_ids": word_ids, "table": table}

def reference(word_ids, table):
    # eval-mode forward: normalize_embedding=False, adaptive_dropout=False,
    # nn.Dropout is identity at inference -> plain embedding gather
    word_embedding = jnp.take(table, word_ids, axis=0)
    return word_embedding

if __name__ == "__main__":
    import jax
    _d = setup_inputs()
    print(jax.jit(kernel)(*tuple(_d.values())))

</pallas_src>

<mosaic_0001>
#map = affine_map<(d0, d1) -> (0)>
#map1 = affine_map<(d0, d1) -> (0, 0)>
module attributes {stable_mosaic.version = 14 : i64} {
  func.func @_gather_kernel(%arg0: i32, %arg1: i32, %arg2: memref<204800xi32, #tpu.memory_space<hbm>>, %arg3: memref<100000x128xf32, #tpu.memory_space<hbm>>, %arg4: memref<204800x128xf32, #tpu.memory_space<hbm>>, %arg5: memref<6400xi32, #tpu.memory_space<vmem>>, %arg6: memref<3x320x128xf32, #tpu.memory_space<vmem>>, %arg7: memref<!tpu.dma_semaphore, #tpu.memory_space<semaphore_mem>>, %arg8: memref<!tpu.dma_semaphore, #tpu.memory_space<semaphore_mem>>) attributes {dimension_semantics = [#tpu.dimension_semantics<core_parallel>, #tpu.dimension_semantics<subcore_parallel>], iteration_bounds = array<i64: 2, 16>, scalar_prefetch = 0 : i64, scratch_operands = 4 : i64, tpu.core_type = #tpu.core_type<sc_vector_subcore>, window_params = [{transform_indices = #map}, {transform_indices = #map1}, {transform_indices = #map1}]} {
    %mul3A = arith.constant 2 : i32
    %mul3A_0 = arith.muli %arg1, %mul3A : i32
    %add3A = arith.addi %mul3A_0, %arg0 : i32
    %mul3A_1 = arith.constant 6400 : i32
    %mul3A_2 = arith.muli %add3A, %mul3A_1 : i32
    "tpu.region"() ({
      %run_scoped3A = tpu.sem_alloc : memref<!tpu.dma_semaphore, #tpu.memory_space<semaphore_mem>>
      %dma_start3A_271 = tpu.memref_slice %arg2[%mul3A_2] : memref<204800xi32, #tpu.memory_space<hbm>> -> memref<6400xi32, #tpu.memory_space<hbm>>
      %dma_start3A_272 = tpu.memref_slice %arg2[%mul3A_2] : memref<204800xi32, #tpu.memory_space<hbm>> -> memref<6400xi32, #tpu.memory_space<hbm>>
      tpu.enqueue_dma source(%dma_start3A_272 : memref<6400xi32, #tpu.memory_space<hbm>>) target(%arg5 : memref<6400xi32, #tpu.memory_space<vmem>>) target_semaphore(%run_scoped3A : memref<!tpu.dma_semaphore, #tpu.memory_space<semaphore_mem>>)
      %dma_wait3A_273 = tpu.memref_slice %arg2[%mul3A_2] : memref<204800xi32, #tpu.memory_space<hbm>> -> memref<6400xi32, #tpu.memory_space<hbm>>
      %dma_wait3A_274 = tpu.memref_slice %arg2[%mul3A_2] : memref<204800xi32, #tpu.memory_space<hbm>> -> memref<6400xi32, #tpu.memory_space<hbm>>
      tpu.wait_dma2 semaphore(%run_scoped3A : memref<!tpu.dma_semaphore, #tpu.memory_space<semaphore_mem>>) src(%dma_wait3A_274 : memref<6400xi32, #tpu.memory_space<hbm>>) dst(%arg5 : memref<6400xi32, #tpu.memory_space<vmem>>)
      tpu.yield
    }) : () -> ()
    %dma_start3A = arith.constant 0 : i32
    %dma_start3A_3 = arith.constant 0 : i32
    %dma_start3A_4 = arith.constant 0 : i32
    %dma_start3A_5 = tpu.memref_slice %arg6[%dma_start3A, %dma_start3A_3, %dma_start3A_4] : memref<3x320x128xf32, #tpu.memory_space<vmem>> -> memref<1x320x128xf32, #tpu.memory_space<vmem>>
    %dma_start3A_6 = tpu.memref_squeeze %dma_start3A_5 : memref<1x320x128xf32, #tpu.memory_space<vmem>> -> memref<320x128xf32, #tpu.memory_space<vmem>>
    %dma_start3A_7 = arith.constant 0 : i32
    %dma_start3A_8 = tpu.memref_slice %arg5[%dma_start3A_7] : memref<6400xi32, #tpu.memory_space<vmem>> -> memref<320xi32, #tpu.memory_space<vmem>>
    %dma_start3A_9 = arith.constant 0 : i32
    %dma_start3A_10 = arith.constant 0 : i32
    %dma_start3A_11 = tpu.memref_slice %arg3[%dma_start3A_9, %dma_start3A_10] : memref<100000x128xf32, #tpu.memory_space<hbm>> -> memref<100000x128xf32, #tpu.memory_space<hbm>>
    tpu.enqueue_indirect_dma source(%dma_start3A_11 : memref<100000x128xf32, #tpu.memory_space<hbm>>) target(%dma_start3A_6 : memref<320x128xf32, #tpu.memory_space<vmem>>) offsets(%dma_start3A_8 : memref<320xi32, #tpu.memory_space<vmem>>) semaphore(%arg7 : memref<!tpu.dma_semaphore, #tpu.memory_space<semaphore_mem>>)
    %dma_start3A_12 = arith.constant 1 : i32
    %dma_start3A_13 = arith.constant 0 : i32
    %dma_start3A_14 = arith.constant 0 : i32
    %dma_start3A_15 = tpu.memref_slice %arg6[%dma_start3A_12, %dma_start3A_13, %dma_start3A_14] : memref<3x320x128xf32, #tpu.memory_space<vmem>> -> memref<1x320x128xf32, #tpu.memory_space<vmem>>
    %dma_start3A_16 = tpu.memref_squeeze %dma_start3A_15 : memref<1x320x128xf32, #tpu.memory_space<vmem>> -> memref<320x128xf32, #tpu.memory_space<vmem>>
    %dma_start3A_17 = arith.constant 320 : i32
    %dma_start3A_18 = tpu.memref_slice %arg5[%dma_start3A_17] : memref<6400xi32, #tpu.memory_space<vmem>> -> memref<320xi32, #tpu.memory_space<vmem>>
    %dma_start3A_19 = arith.constant 0 : i32
    %dma_start3A_20 = arith.constant 0 : i32
    %dma_start3A_21 = tpu.memref_slice %arg3[%dma_start3A_19, %dma_start3A_20] : memref<100000x128xf32, #tpu.memory_space<hbm>> -> memref<100000x128xf32, #tpu.memory_space<hbm>>
    tpu.enqueue_indirect_dma source(%dma_start3A_21 : memref<100000x128xf32, #tpu.memory_space<hbm>>) target(%dma_start3A_16 : memref<320x128xf32, #tpu.memory_space<vmem>>) offsets(%dma_start3A_18 : memref<320xi32, #tpu.memory_space<vmem>>) semaphore(%arg7 : memref<!tpu.dma_semaphore, #tpu.memory_space<semaphore_mem>>)
    %dma_wait3A = arith.constant 0 : i32
    %dma_wait3A_22 = arith.constant 0 : i32
    %dma_wait3A_23 = arith.constant 0 : i32
    %dma_wait3A_24 = tpu.memref_slice %arg6[%dma_wait3A, %dma_wait3A_22, %dma_wait3A_23] : memref<3x320x128xf32, #tpu.memory_space<vmem>> -> memref<1x320x128xf32, #tpu.memory_space<vmem>>
    %dma_wait3A_25 = tpu.memref_squeeze %dma_wait3A_24 : memref<1x320x128xf32, #tpu.memory_space<vmem>> -> memref<320x128xf32, #tpu.memory_space<vmem>>
    %dma_wait3A_26 = arith.constant 0 : i32
    %dma_wait3A_27 = arith.constant 0 : i32
    %dma_wait3A_28 = tpu.memref_slice %arg3[%dma_wait3A_26, %dma_wait3A_27] : memref<100000x128xf32, #tpu.memory_space<hbm>> -> memref<320x128xf32, #tpu.memory_space<hbm>>
    %dma_wait3A_29 = arith.constant 0 : i32
    %dma_wait3A_30 = arith.constant 0 : i32
    %dma_wait3A_31 = tpu.memref_slice %arg6[%dma_wait3A, %dma_wait3A_29, %dma_wait3A_30] : memref<3x320x128xf32, #tpu.memory_space<vmem>> -> memref<1x320x128xf32, #tpu.memory_space<vmem>>
    %dma_wait3A_32 = tpu.memref_squeeze %dma_wait3A_31 : memref<1x320x128xf32, #tpu.memory_space<vmem>> -> memref<320x128xf32, #tpu.memory_space<vmem>>
    %dma_wait3A_33 = arith.constant 0 : i32
    %dma_wait3A_34 = arith.constant 0 : i32
    %dma_wait3A_35 = tpu.memref_slice %arg3[%dma_wait3A_33, %dma_wait3A_34] : memref<100000x128xf32, #tpu.memory_space<hbm>> -> memref<320x128xf32, #tpu.memory_space<hbm>>
    tpu.wait_dma2 semaphore(%arg7 : memref<!tpu.dma_semaphore, #tpu.memory_space<semaphore_mem>>) src(%dma_wait3A_35 : memref<320x128xf32, #tpu.memory_space<hbm>>) dst(%dma_wait3A_32 : memref<320x128xf32, #tpu.memory_space<vmem>>)
    %add3A_36 = arith.constant 0 : i32
    %add3A_37 = arith.addi %mul3A_2, %add3A_36 : i32
    %dma_start3A_38 = arith.constant 0 : i32
    %dma_start3A_39 = arith.constant 0 : i32
    %dma_start3A_40 = arith.constant 0 : i32
    %dma_start3A_41 = tpu.memref_slice %arg6[%dma_start3A_38, %dma_start3A_39, %dma_start3A_40] : memref<3x320x128xf32, #tpu.memory_space<vmem>> -> memref<1x320x128xf32, #tpu.memory_space<vmem>>
    %dma_start3A_42 = tpu.memref_squeeze %dma_start3A_41 : memref<1x320x128xf32, #tpu.memory_space<vmem>> -> memref<320x128xf32, #tpu.memory_space<vmem>>
    %dma_start3A_43 = arith.constant 0 : i32
    %dma_start3A_44 = tpu.memref_slice %arg4[%add3A_37, %dma_start3A_43] : memref<204800x128xf32, #tpu.memory_space<hbm>> -> memref<320x128xf32, #tpu.memory_space<hbm>>
    %dma_start3A_45 = arith.constant 0 : i32
    %dma_start3A_46 = tpu.memref_slice %arg4[%add3A_37, %dma_start3A_45] : memref<204800x128xf32, #tpu.memory_space<hbm>> -> memref<320x128xf32, #tpu.memory_space<hbm>>
    %dma_start3A_47 = arith.constant 0 : i32
    %dma_start3A_48 = arith.constant 0 : i32
    %dma_start3A_49 = tpu.memref_slice %arg6[%dma_start3A_38, %dma_start3A_47, %dma_start3A_48] : memref<3x320x128xf32, #tpu.memory_space<vmem>> -> memref<1x320x128xf32, #tpu.memory_space<vmem>>
    %dma_start3A_50 = tpu.memref_squeeze %dma_start3A_49 : memref<1x320x128xf32, #tpu.memory_space<vmem>> -> memref<320x128xf32, #tpu.memory_space<vmem>>
    tpu.enqueue_dma source(%dma_start3A_50 : memref<320x128xf32, #tpu.memory_space<vmem>>) target(%dma_start3A_46 : memref<320x128xf32, #tpu.memory_space<hbm>>) target_semaphore(%arg8 : memref<!tpu.dma_semaphore, #tpu.memory_space<semaphore_mem>>)
    %dma_start3A_51 = arith.constant 2 : i32
    %dma_start3A_52 = arith.constant 0 : i32
    %dma_start3A_53 = arith.constant 0 : i32
    %dma_start3A_54 = tpu.memref_slice %arg6[%dma_start3A_51, %dma_start3A_52, %dma_start3A_53] : memref<3x320x128xf32, #tpu.memory_space<vmem>> -> memref<1x320x128xf32, #tpu.memory_space<vmem>>
    %dma_start3A_55 = tpu.memref_squeeze %dma_start3A_54 : memref<1x320x128xf32, #tpu.memory_space<vmem>> -> memref<320x128xf32, #tpu.memory_space<vmem>>
    %dma_start3A_56 = arith.constant 640 : i32
    %dma_start3A_57 = tpu.memref_slice %arg5[%dma_start3A_56] : memref<6400xi32, #tpu.memory_space<vmem>> -> memref<320xi32, #tpu.memory_space<vmem>>
    %dma_start3A_58 = arith.constant 0 : i32
    %dma_start3A_59 = arith.constant 0 : i32
    %dma_start3A_60 = tpu.memref_slice %arg3[%dma_start3A_58, %dma_start3A_59] : memref<100000x128xf32, #tpu.memory_space<hbm>> -> memref<100000x128xf32, #tpu.memory_space<hbm>>
    tpu.enqueue_indirect_dma source(%dma_start3A_60 : memref<100000x128xf32, #tpu.memory_space<hbm>>) target(%dma_start3A_55 : memref<320x128xf32, #tpu.memory_space<vmem>>) offsets(%dma_start3A_57 : memref<320xi32, #tpu.memory_space<vmem>>) semaphore(%arg7 : memref<!tpu.dma_semaphore, #tpu.memory_space<semaphore_mem>>)
    %dma_wait3A_61 = arith.constant 1 : i32
    %dma_wait3A_62 = arith.constant 0 : i32
    %dma_wait3A_63 = arith.constant 0 : i32
    %dma_wait3A_64 = tpu.memref_slice %arg6[%dma_wait3A_61, %dma_wait3A_62, %dma_wait3A_63] : memref<3x320x128xf32, #tpu.memory_space<vmem>> -> memref<1x320x128xf32, #tpu.memory_space<vmem>>
    %dma_wait3A_65 = tpu.memref_squeeze %dma_wait3A_64 : memref<1x320x128xf32, #tpu.memory_space<vmem>> -> memref<320x128xf32, #tpu.memory_space<vmem>>
    %dma_wait3A_66 = arith.constant 0 : i32
    %dma_wait3A_67 = arith.constant 0 : i32
    %dma_wait3A_68 = tpu.memref_slice %arg3[%dma_wait3A_66, %dma_wait3A_67] : memref<100000x128xf32, #tpu.memory_space<hbm>> -> memref<320x128xf32, #tpu.memory_space<hbm>>
    %dma_wait3A_69 = arith.constant 0 : i32
    %dma_wait3A_70 = arith.constant 0 : i32
    %dma_wait3A_71 = tpu.memref_slice %arg6[%dma_wait3A_61, %dma_wait3A_69, %dma_wait3A_70] : memref<3x320x128xf32, #tpu.memory_space<vmem>> -> memref<1x320x128xf32, #tpu.memory_space<vmem>>
    %dma_wait3A_72 = tpu.memref_squeeze %dma_wait3A_71 : memref<1x320x128xf32, #tpu.memory_space<vmem>> -> memref<320x128xf32, #tpu.memory_space<vmem>>
    %dma_wait3A_73 = arith.constant 0 : i32
    %dma_wait3A_74 = arith.constant 0 : i32
    %dma_wait3A_75 = tpu.memref_slice %arg3[%dma_wait3A_73, %dma_wait3A_74] : memref<100000x128xf32, #tpu.memory_space<hbm>> -> memref<320x128xf32, #tpu.memory_space<hbm>>
    tpu.wait_dma2 semaphore(%arg7 : memref<!tpu.dma_semaphore, #tpu.memory_space<semaphore_mem>>) src(%dma_wait3A_75 : memref<320x128xf32, #tpu.memory_space<hbm>>) dst(%dma_wait3A_72 : memref<320x128xf32, #tpu.memory_space<vmem>>)
    %add3A_76 = arith.constant 320 : i32
    %add3A_77 = arith.addi %mul3A_2, %add3A_76 : i32
    %dma_start3A_78 = arith.constant 1 : i32
    %dma_start3A_79 = arith.constant 0 : i32
    %dma_start3A_80 = arith.constant 0 : i32
    %dma_start3A_81 = tpu.memref_slice %arg6[%dma_start3A_78, %dma_start3A_79, %dma_start3A_80] : memref<3x320x128xf32, #tpu.memory_space<vmem>> -> memref<1x320x128xf32, #tpu.memory_space<vmem>>
    %dma_start3A_82 = tpu.memref_squeeze %dma_start3A_81 : memref<1x320x128xf32, #tpu.memory_space<vmem>> -> memref<320x128xf32, #tpu.memory_space<vmem>>
    %dma_start3A_83 = arith.constant 0 : i32
    %dma_start3A_84 = tpu.memref_slice %arg4[%add3A_77, %dma_start3A_83] : memref<204800x128xf32, #tpu.memory_space<hbm>> -> memref<320x128xf32, #tpu.memory_space<hbm>>
    %dma_start3A_85 = arith.constant 0 : i32
    %dma_start3A_86 = tpu.memref_slice %arg4[%add3A_77, %dma_start3A_85] : memref<204800x128xf32, #tpu.memory_space<hbm>> -> memref<320x128xf32, #tpu.memory_space<hbm>>
    %dma_start3A_87 = arith.constant 0 : i32
    %dma_start3A_88 = arith.constant 0 : i32
    %dma_start3A_89 = tpu.memref_slice %arg6[%dma_start3A_78, %dma_start3A_87, %dma_start3A_88] : memref<3x320x128xf32, #tpu.memory_space<vmem>> -> memref<1x320x128xf32, #tpu.memory_space<vmem>>
    %dma_start3A_90 = tpu.memref_squeeze %dma_start3A_89 : memref<1x320x128xf32, #tpu.memory_space<vmem>> -> memref<320x128xf32, #tpu.memory_space<vmem>>
    tpu.enqueue_dma source(%dma_start3A_90 : memref<320x128xf32, #tpu.memory_space<vmem>>) target(%dma_start3A_86 : memref<320x128xf32, #tpu.memory_space<hbm>>) target_semaphore(%arg8 : memref<!tpu.dma_semaphore, #tpu.memory_space<semaphore_mem>>)
    %dma_wait3A_91 = arith.constant 1 : i32
    %dma_wait3A_92 = arith.constant 0 : i32
    %dma_wait3A_93 = arith.constant 0 : i32
    %dma_wait3A_94 = tpu.memref_slice %arg6[%dma_wait3A_91, %dma_wait3A_92, %dma_wait3A_93] : memref<3x320x128xf32, #tpu.memory_space<vmem>> -> memref<1x320x128xf32, #tpu.memory_space<vmem>>
    %dma_wait3A_95 = tpu.memref_squeeze %dma_wait3A_94 : memref<1x320x128xf32, #tpu.memory_space<vmem>> -> memref<320x128xf32, #tpu.memory_space<vmem>>
    %dma_wait3A_96 = arith.constant 0 : i32
    %dma_wait3A_97 = tpu.memref_slice %arg4[%mul3A_2, %dma_wait3A_96] : memref<204800x128xf32, #tpu.memory_space<hbm>> -> memref<320x128xf32, #tpu.memory_space<hbm>>
    %dma_wait3A_98 = arith.constant 0 : i32
    %dma_wait3A_99 = tpu.memref_slice %arg4[%mul3A_2, %dma_wait3A_98] : memref<204800x128xf32, #tpu.memory_space<hbm>> -> memref<320x128xf32, #tpu.memory_space<hbm>>
    %dma_wait3A_100 = arith.constant 0 : i32
    %dma_wait3A_101 = arith.constant 0 : i32
    %dma_wait3A_102 = tpu.memref_slice %arg6[%dma_wait3A_91, %dma_wait3A_100, %dma_wait3A_101] : memref<3x320x128xf32, #tpu.memory_space<vmem>> -> memref<1x320x128xf32, #tpu.memory_space<vmem>>
    %dma_wait3A_103 = tpu.memref_squeeze %dma_wait3A_102 : memref<1x320x128xf32, #tpu.memory_space<vmem>> -> memref<320x128xf32, #tpu.memory_space<vmem>>
    tpu.wait_dma2 semaphore(%arg8 : memref<!tpu.dma_semaphore, #tpu.memory_space<semaphore_mem>>) src(%dma_wait3A_103 : memref<320x128xf32, #tpu.memory_space<vmem>>) dst(%dma_wait3A_99 : memref<320x128xf32, #tpu.memory_space<hbm>>)
    %dma_start3A_104 = arith.constant 0 : i32
    %dma_start3A_105 = arith.constant 0 : i32
    %dma_start3A_106 = arith.constant 0 : i32
    %dma_start3A_107 = tpu.memref_slice %arg6[%dma_start3A_104, %dma_start3A_105, %dma_start3A_106] : memref<3x320x128xf32, #tpu.memory_space<vmem>> -> memref<1x320x128xf32, #tpu.memory_space<vmem>>
    %dma_start3A_108 = tpu.memref_squeeze %dma_start3A_107 : memref<1x320x128xf32, #tpu.memory_space<vmem>> -> memref<320x128xf32, #tpu.memory_space<vmem>>
    %dma_start3A_109 = arith.constant 960 : i32
    %dma_start3A_110 = tpu.memref_slice %arg5[%dma_start3A_109] : memref<6400xi32, #tpu.memory_space<vmem>> -> memref<320xi32, #tpu.memory_space<vmem>>
    %dma_start3A_111 = arith.constant 0 : i32
    %dma_start3A_112 = arith.constant 0 : i32
    %dma_start3A_113 = tpu.memref_slice %arg3[%dma_start3A_111, %dma_start3A_112] : memref<100000x128xf32, #tpu.memory_space<hbm>> -> memref<100000x128xf32, #tpu.memory_space<hbm>>
    tpu.enqueue_indirect_dma source(%dma_start3A_113 : memref<100000x128xf32, #tpu.memory_space<hbm>>) target(%dma_start3A_108 : memref<320x128xf32, #tpu.memory_space<vmem>>) offsets(%dma_start3A_110 : memref<320xi32, #tpu.memory_space<vmem>>) semaphore(%arg7 : memref<!tpu.dma_semaphore, #tpu.memory_space<semaphore_mem>>)
    %dma_wait3A_114 = arith.constant 2 : i32
    %dma_wait3A_115 = arith.constant 0 : i32
    %dma_wait3A_116 = arith.constant 0 : i32
    %dma_wait3A_117 = tpu.memref_slice %arg6[%dma_wait3A_114, %dma_wait3A_115, %dma_wait3A_116] : memref<3x320x128xf32, #tpu.memory_space<vmem>> -> memref<1x320x128xf32, #tpu.memory_space<vmem>>
    %dma_wait3A_118 = tpu.memref_squeeze %dma_wait3A_117 : memref<1x320x128xf32, #tpu.memory_space<vmem>> -> memref<320x128xf32, #tpu.memory_space<vmem>>
    %dma_wait3A_119 = arith.constant 0 : i32
    %dma_wait3A_120 = arith.constant 0 : i32
    %dma_wait3A_121 = tpu.memref_slice %arg3[%dma_wait3A_119, %dma_wait3A_120] : memref<100000x128xf32, #tpu.memory_space<hbm>> -> memref<320x128xf32, #tpu.memory_space<hbm>>
    %dma_wait3A_122 = arith.constant 0 : i32
    %dma_wait3A_123 = arith.constant 0 : i32
    %dma_wait3A_124 = tpu.memref_slice %arg6[%dma_wait3A_114, %dma_wait3A_122, %dma_wait3A_123] : memref<3x320x128xf32, #tpu.memory_space<vmem>> -> memref<1x320x128xf32, #tpu.memory_space<vmem>>
    %dma_wait3A_125 = tpu.memref_squeeze %dma_wait3A_124 : memref<1x320x128xf32, #tpu.memory_space<vmem>> -> memref<320x128xf32, #tpu.memory_space<vmem>>
    %dma_wait3A_126 = arith.constant 0 : i32
    %dma_wait3A_127 = arith.constant 0 : i32
    %dma_wait3A_128 = tpu.memref_slice %arg3[%dma_wait3A_126, %dma_wait3A_127] : memref<100000x128xf32, #tpu.memory_space<hbm>> -> memref<320x128xf32, #tpu.memory_space<hbm>>
    tpu.wait_dma2 semaphore(%arg7 : memref<!tpu.dma_semaphore, #tpu.memory_space<semaphore_mem>>) src(%dma_wait3A_128 : memref<320x128xf32, #tpu.memory_space<hbm>>) dst(%dma_wait3A_125 : memref<320x128xf32, #tpu.memory_space<vmem>>)
    %add3A_129 = arith.constant 640 : i32
    %add3A_130 = arith.addi %mul3A_2, %add3A_129 : i32
    %dma_start3A_131 = arith.constant 2 : i32
    %dma_start3A_132 = arith.constant 0 : i32
    %dma_start3A_133 = arith.constant 0 : i32
    %dma_start3A_134 = tpu.memref_slice %arg6[%dma_start3A_131, %dma_start3A_132, %dma_start3A_133] : memref<3x320x128xf32, #tpu.memory_space<vmem>> -> memref<1x320x128xf32, #tpu.memory_space<vmem>>
    %dma_start3A_135 = tpu.memref_squeeze %dma_start3A_134 : memref<1x320x128xf32, #tpu.memory_space<vmem>> -> memref<320x128xf32, #tpu.memory_space<vmem>>
    %dma_start3A_136 = arith.constant 0 : i32
    %dma_start3A_137 = tpu.memref_slice %arg4[%add3A_130, %dma_start3A_136] : memref<204800x128xf32, #tpu.memory_space<hbm>> -> memref<320x128xf32, #tpu.memory_space<hbm>>
    %dma_start3A_138 = arith.constant 0 : i32
    %dma_start3A_139 = tpu.memref_slice %arg4[%add3A_130, %dma_start3A_138] : memref<204800x128xf32, #tpu.memory_space<hbm>> -> memref<320x128xf32, #tpu.memory_space<hbm>>
    %dma_start3A_140 = arith.constant 0 : i32
    %dma_start3A_141 = arith.constant 0 : i32
    %dma_start3A_142 = tpu.memref_slice %arg6[%dma_start3A_131, %dma_start3A_140, %dma_start3A_141] : memref<3x320x128xf32, #tpu.memory_space<vmem>> -> memref<1x320x128xf32, #tpu.memory_space<vmem>>
    %dma_start3A_143 = tpu.memref_squeeze %dma_start3A_142 : memref<1x320x128xf32, #tpu.memory_space<vmem>> -> memref<320x128xf32, #tpu.memory_space<vmem>>
    tpu.enqueue_dma source(%dma_start3A_143 : memref<320x128xf32, #tpu.memory_space<vmem>>) target(%dma_start3A_139 : memref<320x128xf32, #tpu.memory_space<hbm>>) target_semaphore(%arg8 : memref<!tpu.dma_semaphore, #tpu.memory_space<semaphore_mem>>)
    %dma_wait3A_144 = arith.constant 2 : i32
    %dma_wait3A_145 = arith.constant 0 : i32
    %dma_wait3A_146 = arith.constant 0 : i32
    %dma_wait3A_147 = tpu.memref_slice %arg6[%dma_wait3A_144, %dma_wait3A_145, %dma_wait3A_146] : memref<3x320x128xf32, #tpu.memory_space<vmem>> -> memref<1x320x128xf32, #tpu.memory_space<vmem>>
    %dma_wait3A_148 = tpu.memref_squeeze %dma_wait3A_147 : memref<1x320x128xf32, #tpu.memory_space<vmem>> -> memref<320x128xf32, #tpu.memory_space<vmem>>
    %dma_wait3A_149 = arith.constant 0 : i32
    %dma_wait3A_150 = tpu.memref_slice %arg4[%mul3A_2, %dma_wait3A_149] : memref<204800x128xf32, #tpu.memory_space<hbm>> -> memref<320x128xf32, #tpu.memory_space<hbm>>
    %dma_wait3A_151 = arith.constant 0 : i32
    %dma_wait3A_152 = tpu.memref_slice %arg4[%mul3A_2, %dma_wait3A_151] : memref<204800x128xf32, #tpu.memory_space<hbm>> -> memref<320x128xf32, #tpu.memory_space<hbm>>
    %dma_wait3A_153 = arith.constant 0 : i32
    %dma_wait3A_154 = arith.constant 0 : i32
    %dma_wait3A_155 = tpu.memref_slice %arg6[%dma_wait3A_144, %dma_wait3A_153, %dma_wait3A_154] : memref<3x320x128xf32, #tpu.memory_space<vmem>> -> memref<1x320x128xf32, #tpu.memory_space<vmem>>
    %dma_wait3A_156 = tpu.memref_squeeze %dma_wait3A_155 : memref<1x320x128xf32, #tpu.memory_space<vmem>> -> memref<320x128xf32, #tpu.memory_space<vmem>>
    tpu.wait_dma2 semaphore(%arg8 : memref<!tpu.dma_semaphore, #tpu.memory_space<semaphore_mem>>) src(%dma_wait3A_156 : memref<320x128xf32, #tpu.memory_space<vmem>>) dst(%dma_wait3A_152 : memref<320x128xf32, #tpu.memory_space<hbm>>)
    %dma_start3A_157 = arith.constant 1 : i32
    %dma_start3A_158 = arith.constant 0 : i32
    %dma_start3A_159 = arith.constant 0 : i32
    %dma_start3A_160 = tpu.memref_slice %arg6[%dma_start3A_157, %dma_start3A_158, %dma_start3A_159] : memref<3x320x128xf32, #tpu.memory_space<vmem>> -> memref<1x320x128xf32, #tpu.memory_space<vmem>>
    %dma_start3A_161 = tpu.memref_squeeze %dma_start3A_160 : memref<1x320x128xf32, #tpu.memory_space<vmem>> -> memref<320x128xf32, #tpu.memory_space<vmem>>
    %dma_start3A_162 = arith.constant 1280 : i32
    %dma_start3A_163 = tpu.memref_slice %arg5[%dma_start3A_162] : memref<6400xi32, #tpu.memory_space<vmem>> -> memref<320xi32, #tpu.memory_space<vmem>>
    %dma_start3A_164 = arith.constant 0 : i32
    %dma_start3A_165 = arith.constant 0 : i32
    %dma_start3A_166 = tpu.memref_slice %arg3[%dma_start3A_164, %dma_start3A_165] : memref<100000x128xf32, #tpu.memory_space<hbm>> -> memref<100000x128xf32, #tpu.memory_space<hbm>>
    tpu.enqueue_indirect_dma source(%dma_start3A_166 : memref<100000x128xf32, #tpu.memory_space<hbm>>) target(%dma_start3A_161 : memref<320x128xf32, #tpu.memory_space<vmem>>) offsets(%dma_start3A_163 : memref<320xi32, #tpu.memory_space<vmem>>) semaphore(%arg7 : memref<!tpu.dma_semaphore, #tpu.memory_space<semaphore_mem>>)
    %scan3A = arith.constant 0 : i32
    %scan3A_167 = arith.constant 1 : i32
    %scan3A_168 = arith.constant 5 : i32
    %scan3A_169 = arith.addi %scan3A_167, %scan3A_168 : i32
    %scan3A_170 = arith.constant 1 : i32
    scf.for %scan3A_271 = %scan3A_167 to %scan3A_169 step %scan3A_170  : i32 {
      %mul3A_272 = arith.constant 3 : i32
      %mul3A_273 = arith.muli %mul3A_272, %scan3A_271 : i32
      %dma_wait3A_274 = arith.constant 0 : i32
      %dma_wait3A_275 = arith.constant 0 : i32
      %dma_wait3A_276 = arith.constant 0 : i32
      %dma_wait3A_277 = tpu.memref_slice %arg6[%dma_wait3A_274, %dma_wait3A_275, %dma_wait3A_276] : memref<3x320x128xf32, #tpu.memory_space<vmem>> -> memref<1x320x128xf32, #tpu.memory_space<vmem>>
      %dma_wait3A_278 = tpu.memref_squeeze %dma_wait3A_277 : memref<1x320x128xf32, #tpu.memory_space<vmem>> -> memref<320x128xf32, #tpu.memory_space<vmem>>
      %dma_wait3A_279 = arith.constant 0 : i32
      %dma_wait3A_280 = arith.constant 0 : i32
      %dma_wait3A_281 = tpu.memref_slice %arg3[%dma_wait3A_279, %dma_wait3A_280] : memref<100000x128xf32, #tpu.memory_space<hbm>> -> memref<320x128xf32, #tpu.memory_space<hbm>>
      %dma_wait3A_282 = arith.constant 0 : i32
      %dma_wait3A_283 = arith.constant 0 : i32
      %dma_wait3A_284 = tpu.memref_slice %arg6[%dma_wait3A_274, %dma_wait3A_282, %dma_wait3A_283] : memref<3x320x128xf32, #tpu.memory_space<vmem>> -> memref<1x320x128xf32, #tpu.memory_space<vmem>>
      %dma_wait3A_285 = tpu.memref_squeeze %dma_wait3A_284 : memref<1x320x128xf32, #tpu.memory_space<vmem>> -> memref<320x128xf32, #tpu.memory_space<vmem>>
      %dma_wait3A_286 = arith.constant 0 : i32
      %dma_wait3A_287 = arith.constant 0 : i32
      %dma_wait3A_288 = tpu.memref_slice %arg3[%dma_wait3A_286, %dma_wait3A_287] : memref<100000x128xf32, #tpu.memory_space<hbm>> -> memref<320x128xf32, #tpu.memory_space<hbm>>
      tpu.wait_dma2 semaphore(%arg7 : memref<!tpu.dma_semaphore, #tpu.memory_space<semaphore_mem>>) src(%dma_wait3A_288 : memref<320x128xf32, #tpu.memory_space<hbm>>) dst(%dma_wait3A_285 : memref<320x128xf32, #tpu.memory_space<vmem>>)
      %add3A_289 = arith.constant 0 : i32
      %add3A_290 = arith.addi %mul3A_273, %add3A_289 : i32
      %mul3A_291 = arith.constant 320 : i32
      %mul3A_292 = arith.muli %add3A_290, %mul3A_291 : i32
      %add3A_293 = arith.addi %mul3A_2, %mul3A_292 : i32
      %dma_start3A_294 = arith.constant 0 : i32
      %dma_start3A_295 = arith.constant 0 : i32
      %dma_start3A_296 = arith.constant 0 : i32
      %dma_start3A_297 = tpu.memref_slice %arg6[%dma_start3A_294, %dma_start3A_295, %dma_start3A_296] : memref<3x320x128xf32, #tpu.memory_space<vmem>> -> memref<1x320x128xf32, #tpu.memory_space<vmem>>
      %dma_start3A_298 = tpu.memref_squeeze %dma_start3A_297 : memref<1x320x128xf32, #tpu.memory_space<vmem>> -> memref<320x128xf32, #tpu.memory_space<vmem>>
      %dma_start3A_299 = arith.constant 0 : i32
      %dma_start3A_300 = tpu.memref_slice %arg4[%add3A_293, %dma_start3A_299] : memref<204800x128xf32, #tpu.memory_space<hbm>> -> memref<320x128xf32, #tpu.memory_space<hbm>>
      %dma_start3A_301 = arith.constant 0 : i32
      %dma_start3A_302 = tpu.memref_slice %arg4[%add3A_293, %dma_start3A_301] : memref<204800x128xf32, #tpu.memory_space<hbm>> -> memref<320x128xf32, #tpu.memory_space<hbm>>
      %dma_start3A_303 = arith.constant 0 : i32
      %dma_start3A_304 = arith.constant 0 : i32
      %dma_start3A_305 = tpu.memref_slice %arg6[%dma_start3A_294, %dma_start3A_303, %dma_start3A_304] : memref<3x320x128xf32, #tpu.memory_space<vmem>> -> memref<1x320x128xf32, #tpu.memory_space<vmem>>
      %dma_start3A_306 = tpu.memref_squeeze %dma_start3A_305 : memref<1x320x128xf32, #tpu.memory_space<vmem>> -> memref<320x128xf32, #tpu.memory_space<vmem>>
      tpu.enqueue_dma source(%dma_start3A_306 : memref<320x128xf32, #tpu.memory_space<vmem>>) target(%dma_start3A_302 : memref<320x128xf32, #tpu.memory_space<hbm>>) target_semaphore(%arg8 : memref<!tpu.dma_semaphore, #tpu.memory_space<semaphore_mem>>)
      %dma_wait3A_307 = arith.constant 0 : i32
      %dma_wait3A_308 = arith.constant 0 : i32
      %dma_wait3A_309 = arith.constant 0 : i32
      %dma_wait3A_310 = tpu.memref_slice %arg6[%dma_wait3A_307, %dma_wait3A_308, %dma_wait3A_309] : memref<3x320x128xf32, #tpu.memory_space<vmem>> -> memref<1x320x128xf32, #tpu.memory_space<vmem>>
      %dma_wait3A_311 = tpu.memref_squeeze %dma_wait3A_310 : memref<1x320x128xf32, #tpu.memory_space<vmem>> -> memref<320x128xf32, #tpu.memory_space<vmem>>
      %dma_wait3A_312 = arith.constant 0 : i32
      %dma_wait3A_313 = tpu.memref_slice %arg4[%mul3A_2, %dma_wait3A_312] : memref<204800x128xf32, #tpu.memory_space<hbm>> -> memref<320x128xf32, #tpu.memory_space<hbm>>
      %dma_wait3A_314 = arith.constant 0 : i32
      %dma_wait3A_315 = tpu.memref_slice %arg4[%mul3A_2, %dma_wait3A_314] : memref<204800x128xf32, #tpu.memory_space<hbm>> -> memref<320x128xf32, #tpu.memory_space<hbm>>
      %dma_wait3A_316 = arith.constant 0 : i32
      %dma_wait3A_317 = arith.constant 0 : i32
      %dma_wait3A_318 = tpu.memref_slice %arg6[%dma_wait3A_307, %dma_wait3A_316, %dma_wait3A_317] : memref<3x320x128xf32, #tpu.memory_space<vmem>> -> memref<1x320x128xf32, #tpu.memory_space<vmem>>
      %dma_wait3A_319 = tpu.memref_squeeze %dma_wait3A_318 : memref<1x320x128xf32, #tpu.memory_space<vmem>> -> memref<320x128xf32, #tpu.memory_space<vmem>>
      tpu.wait_dma2 semaphore(%arg8 : memref<!tpu.dma_semaphore, #tpu.memory_space<semaphore_mem>>) src(%dma_wait3A_319 : memref<320x128xf32, #tpu.memory_space<vmem>>) dst(%dma_wait3A_315 : memref<320x128xf32, #tpu.memory_space<hbm>>)
      %add3A_320 = arith.constant 0 : i32
      %add3A_321 = arith.addi %mul3A_273, %add3A_320 : i32
      %add3A_322 = arith.constant 2 : i32
      %add3A_323 = arith.addi %add3A_321, %add3A_322 : i32
      %mul3A_324 = arith.constant 320 : i32
      %mul3A_325 = arith.muli %add3A_323, %mul3A_324 : i32
      %dma_start3A_326 = arith.constant 2 : i32
      %dma_start3A_327 = arith.constant 0 : i32
      %dma_start3A_328 = arith.constant 0 : i32
      %dma_start3A_329 = tpu.memref_slice %arg6[%dma_start3A_326, %dma_start3A_327, %dma_start3A_328] : memref<3x320x128xf32, #tpu.memory_space<vmem>> -> memref<1x320x128xf32, #tpu.memory_space<vmem>>
      %dma_start3A_330 = tpu.memref_squeeze %dma_start3A_329 : memref<1x320x128xf32, #tpu.memory_space<vmem>> -> memref<320x128xf32, #tpu.memory_space<vmem>>
      %dma_start3A_331 = tpu.memref_slice %arg5[%mul3A_325] : memref<6400xi32, #tpu.memory_space<vmem>> -> memref<320xi32, #tpu.memory_space<vmem>>
      %dma_start3A_332 = arith.constant 0 : i32
      %dma_start3A_333 = arith.constant 0 : i32
      %dma_start3A_334 = tpu.memref_slice %arg3[%dma_start3A_332, %dma_start3A_333] : memref<100000x128xf32, #tpu.memory_space<hbm>> -> memref<100000x128xf32, #tpu.memory_space<hbm>>
      tpu.enqueue_indirect_dma source(%dma_start3A_334 : memref<100000x128xf32, #tpu.memory_space<hbm>>) target(%dma_start3A_330 : memref<320x128xf32, #tpu.memory_space<vmem>>) offsets(%dma_start3A_331 : memref<320xi32, #tpu.memory_space<vmem>>) semaphore(%arg7 : memref<!tpu.dma_semaphore, #tpu.memory_space<semaphore_mem>>)
      %dma_wait3A_335 = arith.constant 1 : i32
      %dma_wait3A_336 = arith.constant 0 : i32
      %dma_wait3A_337 = arith.constant 0 : i32
      %dma_wait3A_338 = tpu.memref_slice %arg6[%dma_wait3A_335, %dma_wait3A_336, %dma_wait3A_337] : memref<3x320x128xf32, #tpu.memory_space<vmem>> -> memref<1x320x128xf32, #tpu.memory_space<vmem>>
      %dma_wait3A_339 = tpu.memref_squeeze %dma_wait3A_338 : memref<1x320x128xf32, #tpu.memory_space<vmem>> -> memref<320x128xf32, #tpu.memory_space<vmem>>
      %dma_wait3A_340 = arith.constant 0 : i32
      %dma_wait3A_341 = arith.constant 0 : i32
      %dma_wait3A_342 = tpu.memref_slice %arg3[%dma_wait3A_340, %dma_wait3A_341] : memref<100000x128xf32, #tpu.memory_space<hbm>> -> memref<320x128xf32, #tpu.memory_space<hbm>>
      %dma_wait3A_343 = arith.constant 0 : i32
      %dma_wait3A_344 = arith.constant 0 : i32
      %dma_wait3A_345 = tpu.memref_slice %arg6[%dma_wait3A_335, %dma_wait3A_343, %dma_wait3A_344] : memref<3x320x128xf32, #tpu.memory_space<vmem>> -> memref<1x320x128xf32, #tpu.memory_space<vmem>>
      %dma_wait3A_346 = tpu.memref_squeeze %dma_wait3A_345 : memref<1x320x128xf32, #tpu.memory_space<vmem>> -> memref<320x128xf32, #tpu.memory_space<vmem>>
      %dma_wait3A_347 = arith.constant 0 : i32
      %dma_wait3A_348 = arith.constant 0 : i32
      %dma_wait3A_349 = tpu.memref_slice %arg3[%dma_wait3A_347, %dma_wait3A_348] : memref<100000x128xf32, #tpu.memory_space<hbm>> -> memref<320x128xf32, #tpu.memory_space<hbm>>
      tpu.wait_dma2 semaphore(%arg7 : memref<!tpu.dma_semaphore, #tpu.memory_space<semaphore_mem>>) src(%dma_wait3A_349 : memref<320x128xf32, #tpu.memory_space<hbm>>) dst(%dma_wait3A_346 : memref<320x128xf32, #tpu.memory_space<vmem>>)
      %add3A_350 = arith.constant 1 : i32
      %add3A_351 = arith.addi %mul3A_273, %add3A_350 : i32
      %mul3A_352 = arith.constant 320 : i32
      %mul3A_353 = arith.muli %add3A_351, %mul3A_352 : i32
      %add3A_354 = arith.addi %mul3A_2, %mul3A_353 : i32
      %dma_start3A_355 = arith.constant 1 : i32
      %dma_start3A_356 = arith.constant 0 : i32
      %dma_start3A_357 = arith.constant 0 : i32
      %dma_start3A_358 = tpu.memref_slice %arg6[%dma_start3A_355, %dma_start3A_356, %dma_start3A_357] : memref<3x320x128xf32, #tpu.memory_space<vmem>> -> memref<1x320x128xf32, #tpu.memory_space<vmem>>
      %dma_start3A_359 = tpu.memref_squeeze %dma_start3A_358 : memref<1x320x128xf32, #tpu.memory_space<vmem>> -> memref<320x128xf32, #tpu.memory_space<vmem>>
      %dma_start3A_360 = arith.constant 0 : i32
      %dma_start3A_361 = tpu.memref_slice %arg4[%add3A_354, %dma_start3A_360] : memref<204800x128xf32, #tpu.memory_space<hbm>> -> memref<320x128xf32, #tpu.memory_space<hbm>>
      %dma_start3A_362 = arith.constant 0 : i32
      %dma_start3A_363 = tpu.memref_slice %arg4[%add3A_354, %dma_start3A_362] : memref<204800x128xf32, #tpu.memory_space<hbm>> -> memref<320x128xf32, #tpu.memory_space<hbm>>
      %dma_start3A_364 = arith.constant 0 : i32
      %dma_start3A_365 = arith.constant 0 : i32
      %dma_start3A_366 = tpu.memref_slice %arg6[%dma_start3A_355, %dma_start3A_364, %dma_start3A_365] : memref<3x320x128xf32, #tpu.memory_space<vmem>> -> memref<1x320x128xf32, #tpu.memory_space<vmem>>
      %dma_start3A_367 = tpu.memref_squeeze %dma_start3A_366 : memref<1x320x128xf32, #tpu.memory_space<vmem>> -> memref<320x128xf32, #tpu.memory_space<vmem>>
      tpu.enqueue_dma source(%dma_start3A_367 : memref<320x128xf32, #tpu.memory_space<vmem>>) target(%dma_start3A_363 : memref<320x128xf32, #tpu.memory_space<hbm>>) target_semaphore(%arg8 : memref<!tpu.dma_semaphore, #tpu.memory_space<semaphore_mem>>)
      %dma_wait3A_368 = arith.constant 1 : i32
      %dma_wait3A_369 = arith.constant 0 : i32
      %dma_wait3A_370 = arith.constant 0 : i32
      %dma_wait3A_371 = tpu.memref_slice %arg6[%dma_wait3A_368, %dma_wait3A_369, %dma_wait3A_370] : memref<3x320x128xf32, #tpu.memory_space<vmem>> -> memref<1x320x128xf32, #tpu.memory_space<vmem>>
      %dma_wait3A_372 = tpu.memref_squeeze %dma_wait3A_371 : memref<1x320x128xf32, #tpu.memory_space<vmem>> -> memref<320x128xf32, #tpu.memory_space<vmem>>
      %dma_wait3A_373 = arith.constant 0 : i32
      %dma_wait3A_374 = tpu.memref_slice %arg4[%mul3A_2, %dma_wait3A_373] : memref<204800x128xf32, #tpu.memory_space<hbm>> -> memref<320x128xf32, #tpu.memory_space<hbm>>
      %dma_wait3A_375 = arith.constant 0 : i32
      %dma_wait3A_376 = tpu.memref_slice %arg4[%mul3A_2, %dma_wait3A_375] : memref<204800x128xf32, #tpu.memory_space<hbm>> -> memref<320x128xf32, #tpu.memory_space<hbm>>
      %dma_wait3A_377 = arith.constant 0 : i32
      %dma_wait3A_378 = arith.constant 0 : i32
      %dma_wait3A_379 = tpu.memref_slice %arg6[%dma_wait3A_368, %dma_wait3A_377, %dma_wait3A_378] : memref<3x320x128xf32, #tpu.memory_space<vmem>> -> memref<1x320x128xf32, #tpu.memory_space<vmem>>
      %dma_wait3A_380 = tpu.memref_squeeze %dma_wait3A_379 : memref<1x320x128xf32, #tpu.memory_space<vmem>> -> memref<320x128xf32, #tpu.memory_space<vmem>>
      tpu.wait_dma2 semaphore(%arg8 : memref<!tpu.dma_semaphore, #tpu.memory_space<semaphore_mem>>) src(%dma_wait3A_380 : memref<320x128xf32, #tpu.memory_space<vmem>>) dst(%dma_wait3A_376 : memref<320x128xf32, #tpu.memory_space<hbm>>)
      %add3A_381 = arith.constant 1 : i32
      %add3A_382 = arith.addi %mul3A_273, %add3A_381 : i32
      %add3A_383 = arith.constant 2 : i32
      %add3A_384 = arith.addi %add3A_382, %add3A_383 : i32
      %mul3A_385 = arith.constant 320 : i32
      %mul3A_386 = arith.muli %add3A_384, %mul3A_385 : i32
      %dma_start3A_387 = arith.constant 0 : i32
      %dma_start3A_388 = arith.constant 0 : i32
      %dma_start3A_389 = arith.constant 0 : i32
      %dma_start3A_390 = tpu.memref_slice %arg6[%dma_start3A_387, %dma_start3A_388, %dma_start3A_389] : memref<3x320x128xf32, #tpu.memory_space<vmem>> -> memref<1x320x128xf32, #tpu.memory_space<vmem>>
      %dma_start3A_391 = tpu.memref_squeeze %dma_start3A_390 : memref<1x320x128xf32, #tpu.memory_space<vmem>> -> memref<320x128xf32, #tpu.memory_space<vmem>>
      %dma_start3A_392 = tpu.memref_slice %arg5[%mul3A_386] : memref<6400xi32, #tpu.memory_space<vmem>> -> memref<320xi32, #tpu.memory_space<vmem>>
      %dma_start3A_393 = arith.constant 0 : i32
      %dma_start3A_394 = arith.constant 0 : i32
      %dma_start3A_395 = tpu.memref_slice %arg3[%dma_start3A_393, %dma_start3A_394] : memref<100000x128xf32, #tpu.memory_space<hbm>> -> memref<100000x128xf32, #tpu.memory_space<hbm>>
      tpu.enqueue_indirect_dma source(%dma_start3A_395 : memref<100000x128xf32, #tpu.memory_space<hbm>>) target(%dma_start3A_391 : memref<320x128xf32, #tpu.memory_space<vmem>>) offsets(%dma_start3A_392 : memref<320xi32, #tpu.memory_space<vmem>>) semaphore(%arg7 : memref<!tpu.dma_semaphore, #tpu.memory_space<semaphore_mem>>)
      %dma_wait3A_396 = arith.constant 2 : i32
      %dma_wait3A_397 = arith.constant 0 : i32
      %dma_wait3A_398 = arith.constant 0 : i32
      %dma_wait3A_399 = tpu.memref_slice %arg6[%dma_wait3A_396, %dma_wait3A_397, %dma_wait3A_398] : memref<3x320x128xf32, #tpu.memory_space<vmem>> -> memref<1x320x128xf32, #tpu.memory_space<vmem>>
      %dma_wait3A_400 = tpu.memref_squeeze %dma_wait3A_399 : memref<1x320x128xf32, #tpu.memory_space<vmem>> -> memref<320x128xf32, #tpu.memory_space<vmem>>
      %dma_wait3A_401 = arith.constant 0 : i32
      %dma_wait3A_402 = arith.constant 0 : i32
      %dma_wait3A_403 = tpu.memref_slice %arg3[%dma_wait3A_401, %dma_wait3A_402] : memref<100000x128xf32, #tpu.memory_space<hbm>> -> memref<320x128xf32, #tpu.memory_space<hbm>>
      %dma_wait3A_404 = arith.constant 0 : i32
      %dma_wait3A_405 = arith.constant 0 : i32
      %dma_wait3A_406 = tpu.memref_slice %arg6[%dma_wait3A_396, %dma_wait3A_404, %dma_wait3A_405] : memref<3x320x128xf32, #tpu.memory_space<vmem>> -> memref<1x320x128xf32, #tpu.memory_space<vmem>>
      %dma_wait3A_407 = tpu.memref_squeeze %dma_wait3A_406 : memref<1x320x128xf32, #tpu.memory_space<vmem>> -> memref<320x128xf32, #tpu.memory_space<vmem>>
      %dma_wait3A_408 = arith.constant 0 : i32
      %dma_wait3A_409 = arith.constant 0 : i32
      %dma_wait3A_410 = tpu.memref_slice %arg3[%dma_wait3A_408, %dma_wait3A_409] : memref<100000x128xf32, #tpu.memory_space<hbm>> -> memref<320x128xf32, #tpu.memory_space<hbm>>
      tpu.wait_dma2 semaphore(%arg7 : memref<!tpu.dma_semaphore, #tpu.memory_space<semaphore_mem>>) src(%dma_wait3A_410 : memref<320x128xf32, #tpu.memory_space<hbm>>) dst(%dma_wait3A_407 : memref<320x128xf32, #tpu.memory_space<vmem>>)
      %add3A_411 = arith.constant 2 : i32
      %add3A_412 = arith.addi %mul3A_273, %add3A_411 : i32
      %mul3A_413 = arith.constant 320 : i32
      %mul3A_414 = arith.muli %add3A_412, %mul3A_413 : i32
      %add3A_415 = arith.addi %mul3A_2, %mul3A_414 : i32
      %dma_start3A_416 = arith.constant 2 : i32
      %dma_start3A_417 = arith.constant 0 : i32
      %dma_start3A_418 = arith.constant 0 : i32
      %dma_start3A_419 = tpu.memref_slice %arg6[%dma_start3A_416, %dma_start3A_417, %dma_start3A_418] : memref<3x320x128xf32, #tpu.memory_space<vmem>> -> memref<1x320x128xf32, #tpu.memory_space<vmem>>
      %dma_start3A_420 = tpu.memref_squeeze %dma_start3A_419 : memref<1x320x128xf32, #tpu.memory_space<vmem>> -> memref<320x128xf32, #tpu.memory_space<vmem>>
      %dma_start3A_421 = arith.constant 0 : i32
      %dma_start3A_422 = tpu.memref_slice %arg4[%add3A_415, %dma_start3A_421] : memref<204800x128xf32, #tpu.memory_space<hbm>> -> memref<320x128xf32, #tpu.memory_space<hbm>>
      %dma_start3A_423 = arith.constant 0 : i32
      %dma_start3A_424 = tpu.memref_slice %arg4[%add3A_415, %dma_start3A_423] : memref<204800x128xf32, #tpu.memory_space<hbm>> -> memref<320x128xf32, #tpu.memory_space<hbm>>
      %dma_start3A_425 = arith.constant 0 : i32
      %dma_start3A_426 = arith.constant 0 : i32
      %dma_start3A_427 = tpu.memref_slice %arg6[%dma_start3A_416, %dma_start3A_425, %dma_start3A_426] : memref<3x320x128xf32, #tpu.memory_space<vmem>> -> memref<1x320x128xf32, #tpu.memory_space<vmem>>
      %dma_start3A_428 = tpu.memref_squeeze %dma_start3A_427 : memref<1x320x128xf32, #tpu.memory_space<vmem>> -> memref<320x128xf32, #tpu.memory_space<vmem>>
      tpu.enqueue_dma source(%dma_start3A_428 : memref<320x128xf32, #tpu.memory_space<vmem>>) target(%dma_start3A_424 : memref<320x128xf32, #tpu.memory_space<hbm>>) target_semaphore(%arg8 : memref<!tpu.dma_semaphore, #tpu.memory_space<semaphore_mem>>)
      %dma_wait3A_429 = arith.constant 2 : i32
      %dma_wait3A_430 = arith.constant 0 : i32
      %dma_wait3A_431 = arith.constant 0 : i32
      %dma_wait3A_432 = tpu.memref_slice %arg6[%dma_wait3A_429, %dma_wait3A_430, %dma_wait3A_431] : memref<3x320x128xf32, #tpu.memory_space<vmem>> -> memref<1x320x128xf32, #tpu.memory_space<vmem>>
      %dma_wait3A_433 = tpu.memref_squeeze %dma_wait3A_432 : memref<1x320x128xf32, #tpu.memory_space<vmem>> -> memref<320x128xf32, #tpu.memory_space<vmem>>
      %dma_wait3A_434 = arith.constant 0 : i32
      %dma_wait3A_435 = tpu.memref_slice %arg4[%mul3A_2, %dma_wait3A_434] : memref<204800x128xf32, #tpu.memory_space<hbm>> -> memref<320x128xf32, #tpu.memory_space<hbm>>
      %dma_wait3A_436 = arith.constant 0 : i32
      %dma_wait3A_437 = tpu.memref_slice %arg4[%mul3A_2, %dma_wait3A_436] : memref<204800x128xf32, #tpu.memory_space<hbm>> -> memref<320x128xf32, #tpu.memory_space<hbm>>
      %dma_wait3A_438 = arith.constant 0 : i32
      %dma_wait3A_439 = arith.constant 0 : i32
      %dma_wait3A_440 = tpu.memref_slice %arg6[%dma_wait3A_429, %dma_wait3A_438, %dma_wait3A_439] : memref<3x320x128xf32, #tpu.memory_space<vmem>> -> memref<1x320x128xf32, #tpu.memory_space<vmem>>
      %dma_wait3A_441 = tpu.memref_squeeze %dma_wait3A_440 : memref<1x320x128xf32, #tpu.memory_space<vmem>> -> memref<320x128xf32, #tpu.memory_space<vmem>>
      tpu.wait_dma2 semaphore(%arg8 : memref<!tpu.dma_semaphore, #tpu.memory_space<semaphore_mem>>) src(%dma_wait3A_441 : memref<320x128xf32, #tpu.memory_space<vmem>>) dst(%dma_wait3A_437 : memref<320x128xf32, #tpu.memory_space<hbm>>)
      %add3A_442 = arith.constant 2 : i32
      %add3A_443 = arith.addi %mul3A_273, %add3A_442 : i32
      %add3A_444 = arith.constant 2 : i32
      %add3A_445 = arith.addi %add3A_443, %add3A_444 : i32
      %mul3A_446 = arith.constant 320 : i32
      %mul3A_447 = arith.muli %add3A_445, %mul3A_446 : i32
      %dma_start3A_448 = arith.constant 1 : i32
      %dma_start3A_449 = arith.constant 0 : i32
      %dma_start3A_450 = arith.constant 0 : i32
      %dma_start3A_451 = tpu.memref_slice %arg6[%dma_start3A_448, %dma_start3A_449, %dma_start3A_450] : memref<3x320x128xf32, #tpu.memory_space<vmem>> -> memref<1x320x128xf32, #tpu.memory_space<vmem>>
      %dma_start3A_452 = tpu.memref_squeeze %dma_start3A_451 : memref<1x320x128xf32, #tpu.memory_space<vmem>> -> memref<320x128xf32, #tpu.memory_space<vmem>>
      %dma_start3A_453 = tpu.memref_slice %arg5[%mul3A_447] : memref<6400xi32, #tpu.memory_space<vmem>> -> memref<320xi32, #tpu.memory_space<vmem>>
      %dma_start3A_454 = arith.constant 0 : i32
      %dma_start3A_455 = arith.constant 0 : i32
      %dma_start3A_456 = tpu.memref_slice %arg3[%dma_start3A_454, %dma_start3A_455] : memref<100000x128xf32, #tpu.memory_space<hbm>> -> memref<100000x128xf32, #tpu.memory_space<hbm>>
      tpu.enqueue_indirect_dma source(%dma_start3A_456 : memref<100000x128xf32, #tpu.memory_space<hbm>>) target(%dma_start3A_452 : memref<320x128xf32, #tpu.memory_space<vmem>>) offsets(%dma_start3A_453 : memref<320xi32, #tpu.memory_space<vmem>>) semaphore(%arg7 : memref<!tpu.dma_semaphore, #tpu.memory_space<semaphore_mem>>)
    }
    %scan3A_171 = arith.constant 5 : i32
    %dma_wait3A_172 = arith.constant 0 : i32
    %dma_wait3A_173 = arith.constant 0 : i32
    %dma_wait3A_174 = arith.constant 0 : i32
    %dma_wait3A_175 = tpu.memref_slice %arg6[%dma_wait3A_172, %dma_wait3A_173, %dma_wait3A_174] : memref<3x320x128xf32, #tpu.memory_space<vmem>> -> memref<1x320x128xf32, #tpu.memory_space<vmem>>
    %dma_wait3A_176 = tpu.memref_squeeze %dma_wait3A_175 : memref<1x320x128xf32, #tpu.memory_space<vmem>> -> memref<320x128xf32, #tpu.memory_space<vmem>>
    %dma_wait3A_177 = arith.constant 0 : i32
    %dma_wait3A_178 = arith.constant 0 : i32
    %dma_wait3A_179 = tpu.memref_slice %arg3[%dma_wait3A_177, %dma_wait3A_178] : memref<100000x128xf32, #tpu.memory_space<hbm>> -> memref<320x128xf32, #tpu.memory_space<hbm>>
    %dma_wait3A_180 = arith.constant 0 : i32
    %dma_wait3A_181 = arith.constant 0 : i32
    %dma_wait3A_182 = tpu.memref_slice %arg6[%dma_wait3A_172, %dma_wait3A_180, %dma_wait3A_181] : memref<3x320x128xf32, #tpu.memory_space<vmem>> -> memref<1x320x128xf32, #tpu.memory_space<vmem>>
    %dma_wait3A_183 = tpu.memref_squeeze %dma_wait3A_182 : memref<1x320x128xf32, #tpu.memory_space<vmem>> -> memref<320x128xf32, #tpu.memory_space<vmem>>
    %dma_wait3A_184 = arith.constant 0 : i32
    %dma_wait3A_185 = arith.constant 0 : i32
    %dma_wait3A_186 = tpu.memref_slice %arg3[%dma_wait3A_184, %dma_wait3A_185] : memref<100000x128xf32, #tpu.memory_space<hbm>> -> memref<320x128xf32, #tpu.memory_space<hbm>>
    tpu.wait_dma2 semaphore(%arg7 : memref<!tpu.dma_semaphore, #tpu.memory_space<semaphore_mem>>) src(%dma_wait3A_186 : memref<320x128xf32, #tpu.memory_space<hbm>>) dst(%dma_wait3A_183 : memref<320x128xf32, #tpu.memory_space<vmem>>)
    %add3A_187 = arith.constant 5760 : i32
    %add3A_188 = arith.addi %mul3A_2, %add3A_187 : i32
    %dma_start3A_189 = arith.constant 0 : i32
    %dma_start3A_190 = arith.constant 0 : i32
    %dma_start3A_191 = arith.constant 0 : i32
    %dma_start3A_192 = tpu.memref_slice %arg6[%dma_start3A_189, %dma_start3A_190, %dma_start3A_191] : memref<3x320x128xf32, #tpu.memory_space<vmem>> -> memref<1x320x128xf32, #tpu.memory_space<vmem>>
    %dma_start3A_193 = tpu.memref_squeeze %dma_start3A_192 : memref<1x320x128xf32, #tpu.memory_space<vmem>> -> memref<320x128xf32, #tpu.memory_space<vmem>>
    %dma_start3A_194 = arith.constant 0 : i32
    %dma_start3A_195 = tpu.memref_slice %arg4[%add3A_188, %dma_start3A_194] : memref<204800x128xf32, #tpu.memory_space<hbm>> -> memref<320x128xf32, #tpu.memory_space<hbm>>
    %dma_start3A_196 = arith.constant 0 : i32
    %dma_start3A_197 = tpu.memref_slice %arg4[%add3A_188, %dma_start3A_196] : memref<204800x128xf32, #tpu.memory_space<hbm>> -> memref<320x128xf32, #tpu.memory_space<hbm>>
    %dma_start3A_198 = arith.constant 0 : i32
    %dma_start3A_199 = arith.constant 0 : i32
    %dma_start3A_200 = tpu.memref_slice %arg6[%dma_start3A_189, %dma_start3A_198, %dma_start3A_199] : memref<3x320x128xf32, #tpu.memory_space<vmem>> -> memref<1x320x128xf32, #tpu.memory_space<vmem>>
    %dma_start3A_201 = tpu.memref_squeeze %dma_start3A_200 : memref<1x320x128xf32, #tpu.memory_space<vmem>> -> memref<320x128xf32, #tpu.memory_space<vmem>>
    tpu.enqueue_dma source(%dma_start3A_201 : memref<320x128xf32, #tpu.memory_space<vmem>>) target(%dma_start3A_197 : memref<320x128xf32, #tpu.memory_space<hbm>>) target_semaphore(%arg8 : memref<!tpu.dma_semaphore, #tpu.memory_space<semaphore_mem>>)
    %dma_wait3A_202 = arith.constant 0 : i32
    %dma_wait3A_203 = arith.constant 0 : i32
    %dma_wait3A_204 = arith.constant 0 : i32
    %dma_wait3A_205 = tpu.memref_slice %arg6[%dma_wait3A_202, %dma_wait3A_203, %dma_wait3A_204] : memref<3x320x128xf32, #tpu.memory_space<vmem>> -> memref<1x320x128xf32, #tpu.memory_space<vmem>>
    %dma_wait3A_206 = tpu.memref_squeeze %dma_wait3A_205 : memref<1x320x128xf32, #tpu.memory_space<vmem>> -> memref<320x128xf32, #tpu.memory_space<vmem>>
    %dma_wait3A_207 = arith.constant 0 : i32
    %dma_wait3A_208 = tpu.memref_slice %arg4[%mul3A_2, %dma_wait3A_207] : memref<204800x128xf32, #tpu.memory_space<hbm>> -> memref<320x128xf32, #tpu.memory_space<hbm>>
    %dma_wait3A_209 = arith.constant 0 : i32
    %dma_wait3A_210 = tpu.memref_slice %arg4[%mul3A_2, %dma_wait3A_209] : memref<204800x128xf32, #tpu.memory_space<hbm>> -> memref<320x128xf32, #tpu.memory_space<hbm>>
    %dma_wait3A_211 = arith.constant 0 : i32
    %dma_wait3A_212 = arith.constant 0 : i32
    %dma_wait3A_213 = tpu.memref_slice %arg6[%dma_wait3A_202, %dma_wait3A_211, %dma_wait3A_212] : memref<3x320x128xf32, #tpu.memory_space<vmem>> -> memref<1x320x128xf32, #tpu.memory_space<vmem>>
    %dma_wait3A_214 = tpu.memref_squeeze %dma_wait3A_213 : memref<1x320x128xf32, #tpu.memory_space<vmem>> -> memref<320x128xf32, #tpu.memory_space<vmem>>
    tpu.wait_dma2 semaphore(%arg8 : memref<!tpu.dma_semaphore, #tpu.memory_space<semaphore_mem>>) src(%dma_wait3A_214 : memref<320x128xf32, #tpu.memory_space<vmem>>) dst(%dma_wait3A_210 : memref<320x128xf32, #tpu.memory_space<hbm>>)
    %dma_wait3A_215 = arith.constant 1 : i32
    %dma_wait3A_216 = arith.constant 0 : i32
    %dma_wait3A_217 = arith.constant 0 : i32
    %dma_wait3A_218 = tpu.memref_slice %arg6[%dma_wait3A_215, %dma_wait3A_216, %dma_wait3A_217] : memref<3x320x128xf32, #tpu.memory_space<vmem>> -> memref<1x320x128xf32, #tpu.memory_space<vmem>>
    %dma_wait3A_219 = tpu.memref_squeeze %dma_wait3A_218 : memref<1x320x128xf32, #tpu.memory_space<vmem>> -> memref<320x128xf32, #tpu.memory_space<vmem>>
    %dma_wait3A_220 = arith.constant 0 : i32
    %dma_wait3A_221 = arith.constant 0 : i32
    %dma_wait3A_222 = tpu.memref_slice %arg3[%dma_wait3A_220, %dma_wait3A_221] : memref<100000x128xf32, #tpu.memory_space<hbm>> -> memref<320x128xf32, #tpu.memory_space<hbm>>
    %dma_wait3A_223 = arith.constant 0 : i32
    %dma_wait3A_224 = arith.constant 0 : i32
    %dma_wait3A_225 = tpu.memref_slice %arg6[%dma_wait3A_215, %dma_wait3A_223, %dma_wait3A_224] : memref<3x320x128xf32, #tpu.memory_space<vmem>> -> memref<1x320x128xf32, #tpu.memory_space<vmem>>
    %dma_wait3A_226 = tpu.memref_squeeze %dma_wait3A_225 : memref<1x320x128xf32, #tpu.memory_space<vmem>> -> memref<320x128xf32, #tpu.memory_space<vmem>>
    %dma_wait3A_227 = arith.constant 0 : i32
    %dma_wait3A_228 = arith.constant 0 : i32
    %dma_wait3A_229 = tpu.memref_slice %arg3[%dma_wait3A_227, %dma_wait3A_228] : memref<100000x128xf32, #tpu.memory_space<hbm>> -> memref<320x128xf32, #tpu.memory_space<hbm>>
    tpu.wait_dma2 semaphore(%arg7 : memref<!tpu.dma_semaphore, #tpu.memory_space<semaphore_mem>>) src(%dma_wait3A_229 : memref<320x128xf32, #tpu.memory_space<hbm>>) dst(%dma_wait3A_226 : memref<320x128xf32, #tpu.memory_space<vmem>>)
    %add3A_230 = arith.constant 6080 : i32
    %add3A_231 = arith.addi %mul3A_2, %add3A_230 : i32
    %dma_start3A_232 = arith.constant 1 : i32
    %dma_start3A_233 = arith.constant 0 : i32
    %dma_start3A_234 = arith.constant 0 : i32
    %dma_start3A_235 = tpu.memref_slice %arg6[%dma_start3A_232, %dma_start3A_233, %dma_start3A_234] : memref<3x320x128xf32, #tpu.memory_space<vmem>> -> memref<1x320x128xf32, #tpu.memory_space<vmem>>
    %dma_start3A_236 = tpu.memref_squeeze %dma_start3A_235 : memref<1x320x128xf32, #tpu.memory_space<vmem>> -> memref<320x128xf32, #tpu.memory_space<vmem>>
    %dma_start3A_237 = arith.constant 0 : i32
    %dma_start3A_238 = tpu.memref_slice %arg4[%add3A_231, %dma_start3A_237] : memref<204800x128xf32, #tpu.memory_space<hbm>> -> memref<320x128xf32, #tpu.memory_space<hbm>>
    %dma_start3A_239 = arith.constant 0 : i32
    %dma_start3A_240 = tpu.memref_slice %arg4[%add3A_231, %dma_start3A_239] : memref<204800x128xf32, #tpu.memory_space<hbm>> -> memref<320x128xf32, #tpu.memory_space<hbm>>
    %dma_start3A_241 = arith.constant 0 : i32
    %dma_start3A_242 = arith.constant 0 : i32
    %dma_start3A_243 = tpu.memref_slice %arg6[%dma_start3A_232, %dma_start3A_241, %dma_start3A_242] : memref<3x320x128xf32, #tpu.memory_space<vmem>> -> memref<1x320x128xf32, #tpu.memory_space<vmem>>
    %dma_start3A_244 = tpu.memref_squeeze %dma_start3A_243 : memref<1x320x128xf32, #tpu.memory_space<vmem>> -> memref<320x128xf32, #tpu.memory_space<vmem>>
    tpu.enqueue_dma source(%dma_start3A_244 : memref<320x128xf32, #tpu.memory_space<vmem>>) target(%dma_start3A_240 : memref<320x128xf32, #tpu.memory_space<hbm>>) target_semaphore(%arg8 : memref<!tpu.dma_semaphore, #tpu.memory_space<semaphore_mem>>)
    %dma_wait3A_245 = arith.constant 1 : i32
    %dma_wait3A_246 = arith.constant 0 : i32
    %dma_wait3A_247 = arith.constant 0 : i32
    %dma_wait3A_248 = tpu.memref_slice %arg6[%dma_wait3A_245, %dma_wait3A_246, %dma_wait3A_247] : memref<3x320x128xf32, #tpu.memory_space<vmem>> -> memref<1x320x128xf32, #tpu.memory_space<vmem>>
    %dma_wait3A_249 = tpu.memref_squeeze %dma_wait3A_248 : memref<1x320x128xf32, #tpu.memory_space<vmem>> -> memref<320x128xf32, #tpu.memory_space<vmem>>
    %dma_wait3A_250 = arith.constant 0 : i32
    %dma_wait3A_251 = tpu.memref_slice %arg4[%mul3A_2, %dma_wait3A_250] : memref<204800x128xf32, #tpu.memory_space<hbm>> -> memref<320x128xf32, #tpu.memory_space<hbm>>
    %dma_wait3A_252 = arith.constant 0 : i32
    %dma_wait3A_253 = tpu.memref_slice %arg4[%mul3A_2, %dma_wait3A_252] : memref<204800x128xf32, #tpu.memory_space<hbm>> -> memref<320x128xf32, #tpu.memory_space<hbm>>
    %dma_wait3A_254 = arith.constant 0 : i32
    %dma_wait3A_255 = arith.constant 0 : i32
    %dma_wait3A_256 = tpu.memref_slice %arg6[%dma_wait3A_245, %dma_wait3A_254, %dma_wait3A_255] : memref<3x320x128xf32, #tpu.memory_space<vmem>> -> memref<1x320x128xf32, #tpu.memory_space<vmem>>
    %dma_wait3A_257 = tpu.memref_squeeze %dma_wait3A_256 : memref<1x320x128xf32, #tpu.memory_space<vmem>> -> memref<320x128xf32, #tpu.memory_space<vmem>>
    tpu.wait_dma2 semaphore(%arg8 : memref<!tpu.dma_semaphore, #tpu.memory_space<semaphore_mem>>) src(%dma_wait3A_257 : memref<320x128xf32, #tpu.memory_space<vmem>>) dst(%dma_wait3A_253 : memref<320x128xf32, #tpu.memory_space<hbm>>)
    %dma_wait3A_258 = arith.constant 2 : i32
    %dma_wait3A_259 = arith.constant 0 : i32
    %dma_wait3A_260 = arith.constant 0 : i32
    %dma_wait3A_261 = tpu.memref_slice %arg6[%dma_wait3A_258, %dma_wait3A_259, %dma_wait3A_260] : memref<3x320x128xf32, #tpu.memory_space<vmem>> -> memref<1x320x128xf32, #tpu.memory_space<vmem>>
    %dma_wait3A_262 = tpu.memref_squeeze %dma_wait3A_261 : memref<1x320x128xf32, #tpu.memory_space<vmem>> -> memref<320x128xf32, #tpu.memory_space<vmem>>
    %dma_wait3A_263 = arith.constant 0 : i32
    %dma_wait3A_264 = tpu.memref_slice %arg4[%mul3A_2, %dma_wait3A_263] : memref<204800x128xf32, #tpu.memory_space<hbm>> -> memref<320x128xf32, #tpu.memory_space<hbm>>
    %dma_wait3A_265 = arith.constant 0 : i32
    %dma_wait3A_266 = tpu.memref_slice %arg4[%mul3A_2, %dma_wait3A_265] : memref<204800x128xf32, #tpu.memory_space<hbm>> -> memref<320x128xf32, #tpu.memory_space<hbm>>
    %dma_wait3A_267 = arith.constant 0 : i32
    %dma_wait3A_268 = arith.constant 0 : i32
    %dma_wait3A_269 = tpu.memref_slice %arg6[%dma_wait3A_258, %dma_wait3A_267, %dma_wait3A_268] : memref<3x320x128xf32, #tpu.memory_space<vmem>> -> memref<1x320x128xf32, #tpu.memory_space<vmem>>
    %dma_wait3A_270 = tpu.memref_squeeze %dma_wait3A_269 : memref<1x320x128xf32, #tpu.memory_space<vmem>> -> memref<320x128xf32, #tpu.memory_space<vmem>>
    tpu.wait_dma2 semaphore(%arg8 : memref<!tpu.dma_semaphore, #tpu.memory_space<semaphore_mem>>) src(%dma_wait3A_270 : memref<320x128xf32, #tpu.memory_space<vmem>>) dst(%dma_wait3A_266 : memref<320x128xf32, #tpu.memory_space<hbm>>)
    return
  }
}

</mosaic_0001>

<sc_bundles>
// kernel: kernel.3.cloned.1.call-start
scs
__scs_entry_jumppad:
0x0: {  	(pc) =	sbr.rel $0x88, $3  }
0x1: {  	(tag) =	ssettag $0x0;
	lr =	simm.s32 $0x1  }
0x2: {  	[smem:$0x3F9F] =	sst lr;
	_ =	strace $0xD0000000  }
0x3: {  	_ = 	snop  }
0x4: {  	_ = 	snop  }
0x5: {  	_ = 	snop  }
0x6: {  	_ = 	snop  }
0x7: {  	_ = 	snop  }
__scs_overlays_trampoline_lowered:
0x8: {  	[smem:$0x3FAE] =	sst s0  }
0x9: {  	[smem:$0x3FAF] =	sst s1  }
0xa: {  	[smem:$0x3FB0] =	sst s2  }
0xb: {  	[smem:$0x3FB1] =	sst s3  }
0xc: {  	[smem:$0x3FB2] =	sst s4  }
0xd: {  	[smem:$0x3FB3] =	sst s5  }
0xe: {  	[smem:$0x3FB4] =	sst s6  }
0xf: {  	[smem:$0x3FB5] =	sst s7  }
0x10: {  	[smem:$0x3FB6] =	sst s8  }
0x11: {  	[smem:$0x3FB7] =	sst s9;
	s0 =	simm.s32 @!p0 $0x0  }
0x12: {  	s1 =	sld [smem:$0x3F9D];
	s0 =	simm.s32 @p0 $0x1  }
0x13: {  	[smem:$0x3FB8] =	sst s0;
	s0 =	simm.s32 @!p1 $0x0  }
0x14: {  	s2 =	sld [smem:$0x3F9C];
	s0 =	simm.s32 @p1 $0x1  }
0x15: {  	[smem:$0x3FB9] =	sst s0;
	s0 =	simm.s32 @!p2 $0x0  }
0x16: {  	s3 =	sld [smem:$0x3FDB];
	s0 =	simm.s32 @p2 $0x1  }
0x17: {  	s4 =	simm.s32 $0x1BF5;
	[smem:$0x3FBB] =	sst s0  }
0x18: {  	s0 =	sld [smem:$0x3F9E];
	_ =	swait.ge [sflag:s4], $0x0  }
0x19: {  	s7 =	sld [smem:$0x3F9F]  }
0x1a: {  	s8 =	sadd.s32 $0xFFFFE003, lr  }
0x1b: {  	s9 =	sadd.s32 $0xFFFFFEF7, lr;
	s5 =	simm.s32 $0xFFFFFFFF;
	p2 =	slt.u32 s8, $0xFFFFF086  }
0x1c: {  	p1 =	slt.u32 s9, $0xF7A;
	s5 =	simm.s32 @!p2 $0x0  }
0x1d: {  	s5 =	simm.s32 @p1 $0x1;
	p0 =	seq.s32 s7, s2  }
0x1e: {  	s7 =	smul.u32 @!p0 $0xF7A, s2;
	p2 =	seq.s32 @!p0 s5, $0x0  }
0x1f: {  	s9 =	smul.u32 $0xF7A, s1;
	s8 =	simm.s32 @!p0 $0x1BF5;
	p2 =	por !p2, p0  }
0x20: {  	[sflag:s8] =	ssyncset.s32 @!p0 $0xFFFFF086;
	s6 =	sadd.s32 @!p0 s3, s7;
	s7 =	simm.s32 @!p0 $0x108  }
0x21: {  	s3 =	sadd.s32 s3, s9;
	s6 =	sadd.s32 @!p0 $0x88, s6;
	s7 =	simm.s32 @p2 $0x1082  }
0x22: {  	[simem:s7], [sflag:s8] =	dma.local @!p0 [hbm:s6], $0xF7A  }
0x23: {  	s9 =	sor.u32 $0xD0000000, s2;
	s6 =	simm.s32 $0x108;
	_ =	swait.ge @!p0 [sflag:s8], $0x0  }
0x24: {  	s3 =	sadd.s32 $0x88, s3;
	s6 =	simm.s32 @!p1 $0x1082;
	[sflag:s4] =	ssyncset.s32 $0xFFFFF086  }
0x25: {  	[simem:s6], [sflag:s4] =	dma.local [hbm:s3], $0xF7A  }
0x26: {  	[smem:$0x3F9F] =	sst s1;
	(tag) =	ssettag s2;
	_ =	strace s9  }
0x27: {  	s1 =	sld [smem:$0x3FAF]  }
0x28: {  	s2 =	sld [smem:$0x3FB0]  }
0x29: {  	s4 =	sld [smem:$0x3FB2]  }
0x2a: {  	p0 =	seq.s32 s5, $0x0;
	s5 =	sld [smem:$0x3FB3]  }
0x2b: {  	s6 =	sld [smem:$0x3FB4]  }
0x2c: {  	s7 =	sld [smem:$0x3FB5]  }
0x2d: {  	s3 =	simm.s32 $0x108;
	s8 =	sld [smem:$0x3FB6]  }
0x2e: {  	s3 =	simm.s32 @!p0 $0x1082;
	s9 =	sld [smem:$0x3FB7]  }
0x2f: {  	lr =	sadd.s32 s0, s3;
	s0 =	sld [smem:$0x3FAE]  }
0x30: {  	s3 =	sld [smem:$0x3FB1]  }
0x31: {  	[smem:$0x3FBA] =	sst s10  }
0x32: {  	s10 =	sld [smem:$0x3FB8];
	_ =	sdelay $0x3  }
0x33: {  	p0 =	seq.s32 s10, $0x1;
	s10 =	sld [smem:$0x3FBA];
	_ =	sdelay $0x3  }
0x34: {  	[smem:$0x3FBA] =	sst s10  }
0x35: {  	s10 =	sld [smem:$0x3FB9];
	_ =	sdelay $0x3  }
0x36: {  	p1 =	seq.s32 s10, $0x1;
	s10 =	sld [smem:$0x3FBA];
	_ =	sdelay $0x3  }
0x37: {  	[smem:$0x3FBA] =	sst s10  }
0x38: {  	s10 =	sld [smem:$0x3FBB]  }
0x39: {  	_ = 	snop;
	(pc) =	sbr.ind lr, $3  }
0x3a: {  	_ = 	snop  }
0x3b: {  	_ = 	snop  }
0x3c: {  	p2 =	seq.s32 s10, $0x1;
	s10 =	sld [smem:$0x3FBA]  }
0x3d: {  	_ =	shalt  }
0x3e: {  	_ =	shalt  }
0x3f: {  	_ =	shalt  }
0x40: {  	_ =	shalt  }
0x41: {  	_ =	shalt  }
0x42: {  	_ =	shalt  }
0x43: {  	_ =	shalt  }
0x44: {  	_ =	shalt  }
0x45: {  	_ =	shalt  }
0x46: {  	_ =	shalt  }
0x47: {  	_ =	shalt  }
0x48: {  	_ =	shalt  }
0x49: {  	_ =	shalt  }
0x4a: {  	_ =	shalt  }
0x4b: {  	_ =	shalt  }
0x4c: {  	_ =	shalt  }
0x4d: {  	_ =	shalt  }
0x4e: {  	_ =	shalt  }
0x4f: {  	_ =	shalt  }
0x50: {  	_ =	shalt  }
0x51: {  	_ =	shalt  }
0x52: {  	_ =	shalt  }
0x53: {  	_ =	shalt  }
0x54: {  	_ =	shalt  }
0x55: {  	_ =	shalt  }
0x56: {  	_ =	shalt  }
0x57: {  	_ =	shalt  }
0x58: {  	_ =	shalt  }
0x59: {  	_ =	shalt  }
0x5a: {  	_ =	shalt  }
0x5b: {  	_ =	shalt  }
0x5c: {  	_ =	shalt  }
0x5d: {  	_ =	shalt  }
0x5e: {  	_ =	shalt  }
0x5f: {  	_ =	shalt  }
0x60: {  	_ =	shalt  }
0x61: {  	_ =	shalt  }
0x62: {  	_ =	shalt  }
0x63: {  	_ =	shalt  }
0x64: {  	_ =	shalt  }
0x65: {  	_ =	shalt  }
0x66: {  	_ =	shalt  }
0x67: {  	_ =	shalt  }
0x68: {  	_ =	shalt  }
0x69: {  	_ =	shalt  }
0x6a: {  	_ =	shalt  }
0x6b: {  	_ =	shalt  }
0x6c: {  	_ =	shalt  }
0x6d: {  	_ =	shalt  }
0x6e: {  	_ =	shalt  }
0x6f: {  	_ =	shalt  }
0x70: {  	_ =	shalt  }
0x71: {  	_ =	shalt  }
0x72: {  	_ =	shalt  }
0x73: {  	_ =	shalt  }
0x74: {  	_ =	shalt  }
0x75: {  	_ =	shalt  }
0x76: {  	_ =	shalt  }
0x77: {  	_ =	shalt  }
0x78: {  	_ =	shalt  }
0x79: {  	_ =	shalt  }
0x7a: {  	_ =	shalt  }
0x7b: {  	_ =	shalt  }
0x7c: {  	_ =	shalt  }
0x7d: {  	_ =	shalt  }
0x7e: {  	_ =	shalt  }
0x7f: {  	_ =	shalt  }
0x80: {  	_ =	shalt  }
0x81: {  	_ =	shalt  }
0x82: {  	_ =	shalt  }
0x83: {  	_ =	shalt  }
0x84: {  	_ =	shalt  }
0x85: {  	_ =	shalt  }
0x86: {  	_ =	shalt  }
0x87: {  	_ =	shalt  }
.Lfunc_end0:
.L_simem_size_0:
called_computation_lowered:
.L_overlay_start_0:
0x88: {  	s2 =	sld [smem:$0x3FD9]  }
0x89: {  	s3 =	sld [smem:$0x3FFE];
	_ =	sdelay $0x1  }
0x8a: {  	s1 =	srdreg.scid  }
0x8b: {  	s0 =	sand.u32 $0x1, s1  }
0x8c: {  	s17 =	sshll.u32 s0, $0xA;
	s2 =	sadd.s32 s3, s2  }
0x8d: {  	s2 =	sadd.s32 s2, s17  }
0x8e: {  	[smem:$0x3FC6] =	sst s2  }
0x8f: {  	_ = 	snop  }
0x90: {  	s2 =	sld [smem:$0x3FC8]  }
0x91: {  	s18 =	sld [smem:$0x3FD0];
	(tm) =	ssettm $0x1  }
0x92: {  	s4 =	sld [smem:$0x3FFB];
	_ =	sdelay $0x3  }
0x93: {  	_ =	strace s4  }
0x94: {  	s4 =	sld [smem:$0x3FFC];
	_ =	sdelay $0x3  }
0x95: {  	_ =	strace s4  }
0x96: {  	s4 =	sld [smem:$0x3FFD];
	_ =	sdelay $0x3  }
0x97: {  	_ =	strace s4  }
0x98: {  	_ =	strace $0x8FFFFFFF  }
0x99: {  	s19 =	sld [smem:$0x3FDB];
	_ =	sdelay $0x1  }
0x9a: {  	s5 =	simm.s32 $_scs_section_size  }
0x9b: {  	s6 =	simm.s32 $_size__tile_overlayer_lowered;
	s7 =	simm.s32 $_tile_overlayer_lowered  }
0x9c: {  	s22 =	simm.s32 $0x1BFF;
	s21 =	sshll.u32 s7, $0x1;
	s4 =	sadd.s32 s5, s19  }
0x9d: {  	s8 =	simm.s32 $0x0;
	s20 =	sshll.u32 s6, $0x1;
	s6 =	sadd.s32 s21, s4  }
0x9e: {  	[timem:s8], [sflag:s22] =	dma.local [hbm:s6], s20  }
0x9f: {  	_ =	swait.ge [sflag:s22], s20  }
0xa0: {  	s5 =	ssub.s32 $0x0, s20;
	[sflag:s22] =	ssyncset.done $0x0  }
0xa1: {  	[sflag:s22] =	ssyncadd.s32 s5;
	_ =	sdelay $0x1  }
0xa2: {  	s23 =	simm.s32 $0x1B8B  }
0xa3: {  	_ =	swait.ge [sflag:s23], $0x1  }
0xa4: {  	[sflag:s23] =	ssyncset.done $0x0  }
0xa5: {  	s25 =	simm.s32 $0x1B8E;
	s24 =	sld [smem:$0x3FFE];
	[sflag:s23] =	ssyncadd.s32 $0xFFFFFFFF  }
0xa6: {  	s26 =	simm.s32 $execute0_lowered;
	[smem:$0x3FD2] =	sst s25  }
0xa7: {  	s6 =	sshll.u32 s26, $0x1;
	_ =	strace $0x80000046;
	[dreg:$0x1] =	wrdreg $0xFFFFFFFF  }
0xa8: {  	s28 =	simm.s32 $_size_execute0_lowered;
	s4 =	sadd.s32 s4, s6;
	[dreg:$0x0] =	wrdreg $0x0  }
0xa9: {  	s6 =	sshll.u32 s28, $0x1;
	[dreg:$0x2] =	wrdreg s4  }
0xaa: {  	[dreg:$0x3] =	wrdreg s6  }
0xab: {  	[dreg:$0x4] =	wrdreg $0xC0  }
0xac: {  	_ =	task [dreg:s8], $0x5FFFF  }
0xad: {  	[dreg:$0x1] =	wrdreg $0xFFFFFFFF  }
0xae: {  	[dreg:$0x0] =	wrdreg $0x60  }
0xaf: {  	[dreg:$0x2] =	wrdreg s24  }
0xb0: {  	[dreg:$0x3] =	wrdreg s2  }
0xb1: {  	[dreg:$0x4] =	wrdreg s18  }
0xb2: {  	[dreg:$0x5] =	wrdreg $0x9  }
0xb3: {  	_ =	task.clear_ibuf [dreg:s8], $0x6FFFF;
	_ =	strace $0x90000046  }
0xb4: {  	s29 =	simm.s32 $0x9;
	_ =	strace $0x80000048  }
0xb5: {  	_ =	swait.ge [sflag:s29], $0x1  }
0xb6: {  	[sflag:s29] =	ssyncadd.s32 $0xFFFFFFFF  }
0xb7: {  	_ =	strace $0x90000048  }
0xb8: {  	_ =	sfence  }
0xb9: {  	s30 =	sld [smem:$0x0];
	_ =	sdelay $0x2  }
0xba: {  	s31 =	sshll.u32 s1, $0xD;
	s1 =	sshrl.u32 s1, $0x2  }
0xbb: {  	s3 =	sand.u32 $0x4000, s31;
	s1 =	sadd.s32 s1, s30  }
0xbc: {  	s0 =	sor.u32 s3, s0;
	s1 =	sshll.u32 s1, $0x11  }
0xbd: {  	s0 =	sor.u32 s1, s0  }
0xbe: {  	s0 =	sadd.s32 $0x8F2B, s0  }
0xbf: {  	[sflag:s0] =	ssyncadd.remote.s32 $0x1  }
0xc0: {  	_ =	sfence.sel $0xFFFF  }
0xc1: {  	[dreg:$0x0] =	wrdreg $0xFFFFFFFF;
	(pc) =	sbr.abs _section_cstart, $3  }
0xc2: {  	[dreg:$0x1] =	wrdreg $0xFFFFFFFF  }
0xc3: {  	_ =	task.clear_ibuf [dreg:s8], $0x2FFFF;
	_ =	strace $0x9FFFFFFF  }
0xc4: {  	(tm) =	ssettm $0x7FFFFFFF  }
0xc5: {  	_ =	shalt  }
tec
execute0_lowered:
.L_overlay_start_1:
0x0: {  	(tag) =	ssettag $0x1  }
0x1: {  	s4 =	rddreg [dreg:$0x0]  }
0x2: {  	s1 =	srdreg.scid;
	s2 =	rddreg [dreg:$0x1]  }
0x3: {  	s0 =	stileid.u32;
	s9 =	rddreg [dreg:$0x2];
	s3 =	simm.s32 $0x0  }
0x4: {  	s14 =	simm.s32 $0x1900;
	s15 =	simm.s32 $0xB900;
	s16 =	simm.s32 $0x1  }
0x5: {  	s17 =	simm.s32 $0x280;
	s18 =	simm.s32 $0x15900;
	s19 =	simm.s32 $0x2  }
0x6: {  	s20 =	simm.s32 $0x3C0;
	s21 =	simm.s32 $0x500;
	s22 =	simm.s32 $0x0  }
0x7: {  	s7 =	sand.u32 $0x1, s1;
	s28 =	sshll.u32 s0, $0x1;
	s12 =	smul.u32 $0x32000, s0  }
0x8: {  	s1 =	rddreg [dreg:$0x3];
	s5 =	sor.u32 s7, s28;
	s13 =	smul.u32 $0x19000, s7  }
0x9: {  	[smem:$0x7FF] =	sst s3;
	s8 =	ssub.s32 $0x2, s7;
	s6 =	smul.u32 $0x1900, s5  }
0xa: {  	_ =	strace $0x80000047;
	s10 =	smul.u32 $0xC8000, s5;
	s29 =	sshrl.u32 s8, $0x1  }
0xb: {  	s5 =	smul.u32 $0x19000, s5;
	s12 =	sadd.s32 s12, s9;
	s11 =	ssub.s32 s8, s29  }
0xc: {  	s31 =	sadd.s32 s13, s12;
	s12 =	simm.s32 $0x3;
	s6 =	sshrl.u32 s6, $0x3  }
0xd: {  	s13 =	simm.s32 $0x140;
	s30 =	sshrl.u32 s10, $0x3;
	s4 =	sadd.s32 s6, s4  }
0xe: {  	s5 =	sadd.s32 s9, s5;
	s10 =	sadd.s32 s9, s30;
	s4 =	sadd.s32 $0x400, s4  }
0xf: {  	s6 =	sadd.s32 $0x1400, s10;
	s7 =	sadd.s32 $0x2800, s10;
	s8 =	sadd.s32 $0x16800, s10  }
0x10: {  	s9 =	sadd.s32 $0x17C00, s10;
	s10 =	smax.u32 s11, $0x1;
	s11 =	sadd.s32 $0x3C00, s31  }
.LBB2_1:
0x11: {  	[tilespmem:s3], [sflag:$0x3] =	stream.linear.gather [hbm4b:s4+s3], $0x1900, $0x38;
	[tilespmem:$0x1F900] =	vst v63  }
0x12: {  	_ =	swait.ge [sflag:s12], $0x1900  }
0x13: {  	[sflag:s12] =	ssyncset.done $0x0  }
0x14: {  	[sflag:s12] =	ssyncadd.s32 $0xFFFFE700  }
0x15: {  	[tilespmem:s14], [sflag:$0x1] =	stream.indirect.gather [hbm4b:s2+s13], $0x80, s3, s13, $0xb8;
	[tilespmem:$0x1F900] =	vst v63  }
0x16: {  	_ = 	snop  }
0x17: {  	[tilespmem:s15], [sflag:$0x1] =	stream.indirect.gather [hbm4b:s2+s13], $0x80, s13, s13, $0xb8;
	[tilespmem:$0x1F900] =	vst v63  }
0x18: {  	_ =	swait.ge [sflag:s16], $0xA000  }
0x19: {  	[sflag:s16] =	ssyncset.done $0x0  }
0x1a: {  	[sflag:s16] =	ssyncadd.s32 $0xFFFF6000  }
0x1b: {  	[hbm4b:s5+s3] =	stream.linear.scatter [tilespmem:s14], [sflag:$0x2], $0xA000, $0x38;
	[tilespmem:$0x1F900] =	vst v63  }
0x1c: {  	_ = 	snop  }
0x1d: {  	[tilespmem:s18], [sflag:$0x1] =	stream.indirect.gather [hbm4b:s2+s13], $0x80, s17, s13, $0xb8;
	[tilespmem:$0x1F900] =	vst v63  }
0x1e: {  	_ =	swait.ge [sflag:s16], $0xA000  }
0x1f: {  	[sflag:s16] =	ssyncset.done $0x0  }
0x20: {  	[sflag:s16] =	ssyncadd.s32 $0xFFFF6000  }
0x21: {  	[hbm4b:s6+s3] =	stream.linear.scatter [tilespmem:s15], [sflag:$0x2], $0xA000, $0x38;
	[tilespmem:$0x1F900] =	vst v63  }
0x22: {  	_ =	swait.ge [sflag:s19], $0xA000  }
0x23: {  	[sflag:s19] =	ssyncset.done $0x0  }
0x24: {  	[sflag:s19] =	ssyncadd.s32 $0xFFFF6000  }
0x25: {  	[tilespmem:s14], [sflag:$0x1] =	stream.indirect.gather [hbm4b:s2+s13], $0x80, s20, s13, $0xb8;
	[tilespmem:$0x1F900] =	vst v63  }
0x26: {  	_ =	swait.ge [sflag:s16], $0xA000  }
0x27: {  	[sflag:s16] =	ssyncset.done $0x0  }
0x28: {  	[sflag:s16] =	ssyncadd.s32 $0xFFFF6000  }
0x29: {  	[hbm4b:s7+s3] =	stream.linear.scatter [tilespmem:s18], [sflag:$0x2], $0xA000, $0x38;
	[tilespmem:$0x1F900] =	vst v63  }
0x2a: {  	_ =	swait.ge [sflag:s19], $0xA000  }
0x2b: {  	[sflag:s19] =	ssyncset.done $0x0  }
0x2c: {  	[sflag:s19] =	ssyncadd.s32 $0xFFFF6000  }
0x2d: {  	[tilespmem:s15], [sflag:$0x1] =	stream.indirect.gather [hbm4b:s2+s13], $0x80, s21, s13, $0xb8;
	[tilespmem:$0x1F900] =	vst v63  }
0x2e: {  	_ =	swait.ge [sflag:s16], $0xA000  }
0x2f: {  	[sflag:s16] =	ssyncset.done $0x0  }
0x30: {  	[sflag:s16] =	ssyncadd.s32 $0xFFFF6000  }
0x31: {  	[hbm4b:s11+s3] =	stream.linear.scatter [tilespmem:s14], [sflag:$0x2], $0xA000, $0x38;
	[tilespmem:$0x1F900] =	vst v63  }
0x32: {  	_ =	swait.ge [sflag:s19], $0xA000  }
0x33: {  	[sflag:s19] =	ssyncset.done $0x0  }
0x34: {  	s23 =	simm.s32 $0x640;
	[sflag:s19] =	ssyncadd.s32 $0xFFFF6000  }
0x35: {  	[tilespmem:s18], [sflag:$0x1] =	stream.indirect.gather [hbm4b:s2+s13], $0x80, s23, s13, $0xb8;
	[tilespmem:$0x1F900] =	vst v63  }
0x36: {  	_ =	swait.ge [sflag:s16], $0xA000  }
0x37: {  	[sflag:s16] =	ssyncset.done $0x0  }
0x38: {  	s29 =	sadd.s32 $0x1400, s11;
	[sflag:s16] =	ssyncadd.s32 $0xFFFF6000  }
0x39: {  	[hbm4b:s29+s3] =	stream.linear.scatter [tilespmem:s15], [sflag:$0x2], $0xA000, $0x38;
	[tilespmem:$0x1F900] =	vst v63  }
0x3a: {  	_ =	swait.ge [sflag:s19], $0xA000  }
0x3b: {  	[sflag:s19] =	ssyncset.done $0x0  }
0x3c: {  	s30 =	simm.s32 $0x780;
	[sflag:s19] =	ssyncadd.s32 $0xFFFF6000  }
0x3d: {  	[tilespmem:s14], [sflag:$0x1] =	stream.indirect.gather [hbm4b:s2+s13], $0x80, s30, s13, $0xb8;
	[tilespmem:$0x1F900] =	vst v63  }
0x3e: {  	_ =	swait.ge [sflag:s16], $0xA000  }
0x3f: {  	[sflag:s16] =	ssyncset.done $0x0  }
0x40: {  	s31 =	sadd.s32 $0x2800, s11;
	[sflag:s16] =	ssyncadd.s32 $0xFFFF6000  }
0x41: {  	[hbm4b:s31+s3] =	stream.linear.scatter [tilespmem:s18], [sflag:$0x2], $0xA000, $0x38;
	[tilespmem:$0x1F900] =	vst v63  }
0x42: {  	_ =	swait.ge [sflag:s19], $0xA000  }
0x43: {  	s25 =	simm.s32 $0x8C0;
	[sflag:s19] =	ssyncset.done $0x0  }
0x44: {  	s24 =	sadd.s32 $0x3C00, s11;
	s23 =	simm.s32 $0xF00;
	[sflag:s19] =	ssyncadd.s32 $0xFFFF6000  }
.LBB2_2:
0x45: {  	[tilespmem:s15], [sflag:$0x1] =	stream.indirect.gather [hbm4b:s2+s13], $0x80, s25, s13, $0xb8;
	[tilespmem:$0x1F900] =	vst v63  }
0x46: {  	s25 =	smov.u32 s23  }
0x47: {  	p0 =	sne.s32 s23, $0x3C00;
	s23 =	sadd.s32 $0xF00, s23;
	_ =	swait.ge [sflag:s16], $0xA000  }
0x48: {  	[sflag:s16] =	ssyncset.done $0x0  }
0x49: {  	[sflag:s16] =	ssyncadd.s32 $0xFFFF6000  }
0x4a: {  	[hbm4b:s24+s3] =	stream.linear.scatter [tilespmem:s14], [sflag:$0x2], $0xA000, $0x38;
	[tilespmem:$0x1F900] =	vst v63  }
0x4b: {  	_ =	swait.ge [sflag:s19], $0xA000  }
0x4c: {  	s25 =	sshra.s32 s25, $0x2;
	[sflag:s19] =	ssyncset.done $0x0  }
0x4d: {  	s26 =	sadd.s32 $0x640, s25;
	[sflag:s19] =	ssyncadd.s32 $0xFFFF6000  }
0x4e: {  	[tilespmem:s18], [sflag:$0x1] =	stream.indirect.gather [hbm4b:s2+s13], $0x80, s26, s13, $0xb8;
	[tilespmem:$0x1F900] =	vst v63  }
0x4f: {  	_ =	swait.ge [sflag:s16], $0xA000  }
0x50: {  	[sflag:s16] =	ssyncset.done $0x0  }
0x51: {  	s26 =	sadd.s32 $0x1400, s24;
	[sflag:s16] =	ssyncadd.s32 $0xFFFF6000  }
0x52: {  	[hbm4b:s26+s3] =	stream.linear.scatter [tilespmem:s15], [sflag:$0x2], $0xA000, $0x38;
	[tilespmem:$0x1F900] =	vst v63  }
0x53: {  	_ =	swait.ge [sflag:s19], $0xA000  }
0x54: {  	[sflag:s19] =	ssyncset.done $0x0  }
0x55: {  	s26 =	sadd.s32 $0x780, s25;
	[sflag:s19] =	ssyncadd.s32 $0xFFFF6000  }
0x56: {  	[tilespmem:s14], [sflag:$0x1] =	stream.indirect.gather [hbm4b:s2+s13], $0x80, s26, s13, $0xb8;
	[tilespmem:$0x1F900] =	vst v63  }
0x57: {  	_ =	swait.ge [sflag:s16], $0xA000  }
0x58: {  	[sflag:s16] =	ssyncset.done $0x0  }
.Ltmp0:
0x59: {  	s26 =	sadd.s32 $0x2800, s24;
	[sflag:s16] =	ssyncadd.s32 $0xFFFF6000;
	(pc) =	sbr.rel @p0 .LBB2_2-.Ltmp0, $4  }
0x5a: {  	[hbm4b:s26+s3] =	stream.linear.scatter [tilespmem:s18], [sflag:$0x2], $0xA000, $0x38;
	[tilespmem:$0x1F900] =	vst v63  }
0x5b: {  	_ =	swait.ge [sflag:s19], $0xA000  }
0x5c: {  	[sflag:s19] =	ssyncset.done $0x0  }
0x5d: {  	s25 =	sadd.s32 $0x8C0, s25;
	s24 =	sadd.s32 $0x3C00, s24;
	[sflag:s19] =	ssyncadd.s32 $0xFFFF6000  }
0x5e: {  	[tilespmem:s15], [sflag:$0x1] =	stream.indirect.gather [hbm4b:s2+s13], $0x80, s25, s13, $0xb8;
	[tilespmem:$0x1F900] =	vst v63  }
0x5f: {  	_ =	swait.ge [sflag:s16], $0xA000  }
0x60: {  	[sflag:s16] =	ssyncset.done $0x0  }
0x61: {  	[sflag:s16] =	ssyncadd.s32 $0xFFFF6000  }
0x62: {  	[hbm4b:s8+s3] =	stream.linear.scatter [tilespmem:s14], [sflag:$0x2], $0xA000, $0x38;
	[tilespmem:$0x1F900] =	vst v63  }
0x63: {  	_ =	swait.ge [sflag:s19], $0xA000  }
0x64: {  	[sflag:s19] =	ssyncset.done $0x0  }
0x65: {  	[sflag:s19] =	ssyncadd.s32 $0xFFFF6000  }
0x66: {  	_ =	swait.ge [sflag:s16], $0xA000  }
0x67: {  	[sflag:s16] =	ssyncset.done $0x0  }
0x68: {  	s22 =	sadd.s32 $0x1, s22;
	[sflag:s16] =	ssyncadd.s32 $0xFFFF6000  }
0x69: {  	[hbm4b:s9+s3] =	stream.linear.scatter [tilespmem:s15], [sflag:$0x2], $0xA000, $0x38;
	[tilespmem:$0x1F900] =	vst v63  }
0x6a: {  	p0 =	sne.s32 s22, s10;
	_ =	swait.ge [sflag:s19], $0xA000  }
.Ltmp1:
0x6b: {  	[sflag:s19] =	ssyncset.done $0x0;
	(pc) =	sbr.rel @p0 .LBB2_1-.Ltmp1, $4  }
0x6c: {  	[sflag:s19] =	ssyncadd.s32 $0xFFFF6000  }
0x6d: {  	_ =	swait.ge [sflag:s19], $0xA000  }
0x6e: {  	[sflag:s19] =	ssyncset.done $0x0  }
0x6f: {  	[sflag:s19] =	ssyncadd.s32 $0xFFFF6000  }
0x70: {  	_ =	sfence.sel $0x180000  }
0x71: {  	[bflag:$0x0] =	sbarrier.arrive $0xFFFF  }
0x72: {  	p0 =	sne.s32 s0, $0x0;
	_ =	strace $0x90000047  }
0x73: {  	s0 =	sadd.s32 @!p0 $0x100000, s1;
	[bflag:$0x2] =	sbarrier.arrive $0xFFFF  }
0x74: {  	[sflag:s0] =	ssyncadd.tile.s32 @!p0 $0x1;
	_ =	shalt  }
.Lfunc_end2:
_tile_overlayer_lowered:
.L_overlay_start_2:
0x75: {  	(tag) =	ssettag $0x2  }
0x76: {  	s0 =	rddreg [dreg:$0x0];
	s2 =	stileid.u32  }
0x77: {  	s1 =	rddreg [dreg:$0x1];
	p0 =	sne.s32 s2, $0x0  }
0x78: {  	s3 =	rddreg [dreg:$0x2];
	[bflag:$0x3] =	sbarrier.arrive $0xFFFF;
	s2 =	simm.s32 @!p0 $0x1C03  }
0x79: {  	[timem:s3], [sflag:s2] =	dma.local @!p0 [hbm:s0], s1  }
0x7a: {  	s0 =	simm.s32 @!p0 $0x3  }
0x7b: {  	_ =	swait.ge @!p0 [sflag:s0], s1  }
0x7c: {  	s1 =	ssub.s32 @!p0 $0x0, s1;
	[sflag:s0] =	ssyncset.done @!p0 $0x0  }
0x7d: {  	[sflag:s0] =	ssyncadd.s32 @!p0 s1  }
0x7e: {  	[bflag:$0x3] =	sbarrier.arrive $0xFFFF  }
0x7f: {  	_ =	shalt  }

</sc_bundles>
